<compile_context>
chip_gen: v7x
topology: tpu7x:2x2x1
jax: 0.10.2.dev20260603
libtpu: 0.0.44.dev20260713+nightly
codegen_flags: <defaults>
</compile_context>

<pallas_src>
import jax
import jax.numpy as jnp
from jax import lax
from jax.experimental import pallas as pl
from jax.experimental.pallas import tpu as pltpu
from jax.experimental.pallas import tpu_sc as plsc

B = 16384
D = 32
NUM_FIELDS = 5
P = B * NUM_FIELDS
NC, NS = 2, 16
NW = NC * NS
ROWS_W = P // NW
IDX_MINOR = 128
IDX_ROWS = ROWS_W // IDX_MINOR
NDRAIN = 5
OFFSETS = (0, 11, 23, 54, 78)
V_TOTAL = 84


def _body(x_hbm, tab_hbm, out_hbm, idx_v, rows_v, tab_sh, sem, wsem):
    wid = lax.axis_index("s") * NC + lax.axis_index("c")
    base = wid * ROWS_W

    @pl.when(lax.axis_index("s") == 0)
    def _():
        pltpu.sync_copy(tab_hbm, tab_sh)

    pltpu.sync_copy(x_hbm.at[pl.ds(base, ROWS_W)], idx_v)

    lane = lax.iota(jnp.int32, 16)
    off_vecs = []
    for r in range(NUM_FIELDS):
        f = lax.rem(lane + r, jnp.int32(NUM_FIELDS))
        off = jnp.where(
            f == 1, OFFSETS[1],
            jnp.where(f == 2, OFFSETS[2],
                      jnp.where(f == 3, OFFSETS[3],
                                jnp.where(f == 4, OFFSETS[4], OFFSETS[0]))))
        off_vecs.append(off.astype(jnp.int32))

    def add_offsets(q):
        for t in range(40):
            p = q * 640 + t * 16
            v = idx_v[pl.ds(p, 16)]
            idx_v[pl.ds(p, 16)] = v + off_vecs[t % 5]

    pl.loop(0, 4)(add_offsets)

    plsc.subcore_barrier()

    copies = [
        pltpu.async_copy(
            tab_sh.at[idx_v.at[pl.ds(j * IDX_MINOR, IDX_MINOR)]],
            rows_v.at[pl.ds(j * IDX_MINOR, IDX_MINOR)],
            sem,
        )
        for j in range(IDX_ROWS)
    ]
    GRP = NDRAIN * IDX_MINOR
    outs = []
    for g in range(IDX_ROWS // NDRAIN):
        for c in copies[g * NDRAIN:(g + 1) * NDRAIN]:
            c.wait()
        outs.append(pltpu.async_copy(
            rows_v.at[pl.ds(g * GRP, GRP)],
            out_hbm.at[pl.ds(base + g * GRP, GRP)],
            wsem,
        ))
    for o in outs:
        o.wait()


@jax.jit
def _run(x2d, fused):
    mesh = plsc.VectorSubcoreMesh(core_axis_name="c", subcore_axis_name="s")
    return pl.kernel(
        _body,
        out_type=jax.ShapeDtypeStruct((P, D), jnp.float32),
        mesh=mesh,
        scratch_types=[
            pltpu.VMEM((ROWS_W,), jnp.int32),
            pltpu.VMEM((ROWS_W, D), jnp.float32),
            pltpu.VMEM_SHARED((V_TOTAL, D), jnp.float32),
            pltpu.SemaphoreType.DMA,
            pltpu.SemaphoreType.DMA,
        ],
        compiler_params=pltpu.CompilerParams(use_tc_tiling_on_sc=False),
    )(x2d, fused)


def kernel(x, table_year, table_month, table_day, table_hour, table_weekday):
    fused = jnp.concatenate(
        [table_year, table_month, table_day, table_hour, table_weekday],
        axis=0,
    )
    out = _run(x.astype(jnp.int32).reshape(-1), fused)
    return out.reshape(B, NUM_FIELDS * D)

# --- scband reference (transcript-rebuilt; emitter-appended) ---
"""Pipeline reference for scband-embedding-24395414241817 (READ-ONLY COPY).

The authoritative reference and input builder live on the scoring server;
editing this copy changes nothing except your own understanding.
"""

import jax, jax.numpy as jnp
import numpy as np

B = 16384
D = 32

def setup_inputs(seed: int = 0) -> dict:
    key = jax.random.key(seed)
    k_x, k_y, k_m, k_d, k_h, k_w = jax.random.split(key, 6)
    x = jax.random.randint(k_x, (B, 5), 0, 6, dtype=jnp.int64) if jax.config.jax_enable_x64 else jax.random.randint(k_x, (B, 5), 0, 6, dtype=jnp.int32)
    table_year = jax.random.normal(k_y, (11, D), dtype=jnp.float32)
    table_month = jax.random.normal(k_m, (12, D), dtype=jnp.float32)
    table_day = jax.random.normal(k_d, (31, D), dtype=jnp.float32)
    table_hour = jax.random.normal(k_h, (24, D), dtype=jnp.float32)
    table_weekday = jax.random.normal(k_w, (6, D), dtype=jnp.float32)
    return {
        "x": x,
        "table_year": table_year,
        "table_month": table_month,
        "table_day": table_day,
        "table_hour": table_hour,
        "table_weekday": table_weekday,
    }

def reference(x, table_year, table_month, table_day, table_hour, table_weekday):
    # Embedding lookups (gathers) for each time field, then concat on feature dim.
    e_year = jnp.take(table_year, x[:, 0], axis=0)
    e_month = jnp.take(table_month, x[:, 1], axis=0)
    e_day = jnp.take(table_day, x[:, 2], axis=0)
    e_hour = jnp.take(table_hour, x[:, 3], axis=0)
    e_weekday = jnp.take(table_weekday, x[:, 4], axis=0)
    out = jnp.concatenate([e_year, e_month, e_day, e_hour, e_weekday], axis=1)
    # dropout p=0.0 -> identity
    return out

if __name__ == "__main__":
    import jax
    _d = setup_inputs()
    print(jax.jit(kernel)(*tuple(_d.values())))

</pallas_src>

<mosaic_0001>
#map = affine_map<(d0, d1) -> (0)>
#map1 = affine_map<(d0, d1) -> (0, 0)>
module attributes {stable_mosaic.version = 14 : i64} {
  func.func @_body(%arg0: i32, %arg1: i32, %arg2: memref<81920xi32, #tpu.memory_space<hbm>>, %arg3: memref<84x32xf32, #tpu.memory_space<hbm>>, %arg4: memref<81920x32xf32, #tpu.memory_space<hbm>>, %arg5: memref<2560xi32, #tpu.memory_space<vmem>>, %arg6: memref<2560x32xf32, #tpu.memory_space<vmem>>, %arg7: memref<84x32xf32, #tpu.memory_space<vmem_shared>>, %arg8: memref<!tpu.dma_semaphore, #tpu.memory_space<semaphore_mem>>, %arg9: memref<!tpu.dma_semaphore, #tpu.memory_space<semaphore_mem>>) attributes {dimension_semantics = [#tpu.dimension_semantics<core_parallel>, #tpu.dimension_semantics<subcore_parallel>], iteration_bounds = array<i64: 2, 16>, scalar_prefetch = 0 : i64, scratch_operands = 5 : i64, tpu.core_type = #tpu.core_type<sc_vector_subcore>, window_params = [{transform_indices = #map}, {transform_indices = #map1}, {transform_indices = #map1}]} {
    %mul3A = arith.constant 2 : i32
    %mul3A_0 = arith.muli %arg1, %mul3A : i32
    %add3A = arith.addi %mul3A_0, %arg0 : i32
    %mul3A_1 = arith.constant 2560 : i32
    %mul3A_2 = arith.muli %add3A, %mul3A_1 : i32
    %eq3A = arith.constant 0 : i32
    %eq3A_3 = arith.cmpi eq, %arg1, %eq3A : i32
    %convert_element_type3A = arith.extui %eq3A_3 : i1 to i32
    %cond3A = arith.constant 0 : i32
    %cond3A_4 = arith.cmpi ne, %convert_element_type3A, %cond3A : i32
    scf.if %cond3A_4 {
      "tpu.region"() ({
        %run_scoped3A = tpu.sem_alloc : memref<!tpu.dma_semaphore, #tpu.memory_space<semaphore_mem>>
        tpu.enqueue_dma source(%arg3 : memref<84x32xf32, #tpu.memory_space<hbm>>) target(%arg7 : memref<84x32xf32, #tpu.memory_space<vmem_shared>>) target_semaphore(%run_scoped3A : memref<!tpu.dma_semaphore, #tpu.memory_space<semaphore_mem>>)
        tpu.wait_dma2 semaphore(%run_scoped3A : memref<!tpu.dma_semaphore, #tpu.memory_space<semaphore_mem>>) src(%arg3 : memref<84x32xf32, #tpu.memory_space<hbm>>) dst(%arg7 : memref<84x32xf32, #tpu.memory_space<vmem_shared>>)
        tpu.yield
      }) : () -> ()
    } else {
    }
    "tpu.region"() ({
      %run_scoped3A = tpu.sem_alloc : memref<!tpu.dma_semaphore, #tpu.memory_space<semaphore_mem>>
      %dma_start3A_571 = tpu.memref_slice %arg2[%mul3A_2] : memref<81920xi32, #tpu.memory_space<hbm>> -> memref<2560xi32, #tpu.memory_space<hbm>>
      %dma_start3A_572 = tpu.memref_slice %arg2[%mul3A_2] : memref<81920xi32, #tpu.memory_space<hbm>> -> memref<2560xi32, #tpu.memory_space<hbm>>
      tpu.enqueue_dma source(%dma_start3A_572 : memref<2560xi32, #tpu.memory_space<hbm>>) target(%arg5 : memref<2560xi32, #tpu.memory_space<vmem>>) target_semaphore(%run_scoped3A : memref<!tpu.dma_semaphore, #tpu.memory_space<semaphore_mem>>)
      %dma_wait3A_573 = tpu.memref_slice %arg2[%mul3A_2] : memref<81920xi32, #tpu.memory_space<hbm>> -> memref<2560xi32, #tpu.memory_space<hbm>>
      %dma_wait3A_574 = tpu.memref_slice %arg2[%mul3A_2] : memref<81920xi32, #tpu.memory_space<hbm>> -> memref<2560xi32, #tpu.memory_space<hbm>>
      tpu.wait_dma2 semaphore(%run_scoped3A : memref<!tpu.dma_semaphore, #tpu.memory_space<semaphore_mem>>) src(%dma_wait3A_574 : memref<2560xi32, #tpu.memory_space<hbm>>) dst(%arg5 : memref<2560xi32, #tpu.memory_space<vmem>>)
      tpu.yield
    }) : () -> ()
    %iota3A = tpu.iota {dimensions = array<i32: 0>} : vector<16xi32>
    %add3A_5 = arith.constant 0 : i32
    %add3A_6 = vector.broadcast %add3A_5 : i32 to vector<16xi32>
    %add3A_7 = arith.addi %iota3A, %add3A_6 : vector<16xi32>
    %rem3A = arith.constant 5 : i32
    %rem3A_8 = vector.broadcast %rem3A : i32 to vector<16xi32>
    %rem3A_9 = arith.remsi %add3A_7, %rem3A_8 : vector<16xi32>
    %eq3A_10 = arith.constant 1 : i32
    %eq3A_11 = vector.broadcast %eq3A_10 : i32 to vector<16xi32>
    %eq3A_12 = arith.cmpi eq, %rem3A_9, %eq3A_11 : vector<16xi32>
    %eq3A_13 = arith.constant 2 : i32
    %eq3A_14 = vector.broadcast %eq3A_13 : i32 to vector<16xi32>
    %eq3A_15 = arith.cmpi eq, %rem3A_9, %eq3A_14 : vector<16xi32>
    %eq3A_16 = arith.constant 3 : i32
    %eq3A_17 = vector.broadcast %eq3A_16 : i32 to vector<16xi32>
    %eq3A_18 = arith.cmpi eq, %rem3A_9, %eq3A_17 : vector<16xi32>
    %eq3A_19 = arith.constant 4 : i32
    %eq3A_20 = vector.broadcast %eq3A_19 : i32 to vector<16xi32>
    %eq3A_21 = arith.cmpi eq, %rem3A_9, %eq3A_20 : vector<16xi32>
    %jit3A = arith.constant 78 : i32
    %jit3A_22 = arith.constant 0 : i32
    %broadcast_in_dim3A = vector.broadcast %jit3A : i32 to vector<16xi32>
    %broadcast_in_dim3A_23 = vector.broadcast %jit3A_22 : i32 to vector<16xi32>
    %select_n3A = arith.select %eq3A_21, %broadcast_in_dim3A, %broadcast_in_dim3A_23 : vector<16xi1>, vector<16xi32>
    %jit3A_24 = arith.constant 54 : i32
    %broadcast_in_dim3A_25 = vector.broadcast %jit3A_24 : i32 to vector<16xi32>
    %select_n3A_26 = arith.select %eq3A_18, %broadcast_in_dim3A_25, %select_n3A : vector<16xi1>, vector<16xi32>
    %jit3A_27 = arith.constant 23 : i32
    %broadcast_in_dim3A_28 = vector.broadcast %jit3A_27 : i32 to vector<16xi32>
    %select_n3A_29 = arith.select %eq3A_15, %broadcast_in_dim3A_28, %select_n3A_26 : vector<16xi1>, vector<16xi32>
    %jit3A_30 = arith.constant 11 : i32
    %broadcast_in_dim3A_31 = vector.broadcast %jit3A_30 : i32 to vector<16xi32>
    %select_n3A_32 = arith.select %eq3A_12, %broadcast_in_dim3A_31, %select_n3A_29 : vector<16xi1>, vector<16xi32>
    %add3A_33 = arith.constant 1 : i32
    %add3A_34 = vector.broadcast %add3A_33 : i32 to vector<16xi32>
    %add3A_35 = arith.addi %iota3A, %add3A_34 : vector<16xi32>
    %rem3A_36 = arith.constant 5 : i32
    %rem3A_37 = vector.broadcast %rem3A_36 : i32 to vector<16xi32>
    %rem3A_38 = arith.remsi %add3A_35, %rem3A_37 : vector<16xi32>
    %eq3A_39 = arith.constant 1 : i32
    %eq3A_40 = vector.broadcast %eq3A_39 : i32 to vector<16xi32>
    %eq3A_41 = arith.cmpi eq, %rem3A_38, %eq3A_40 : vector<16xi32>
    %eq3A_42 = arith.constant 2 : i32
    %eq3A_43 = vector.broadcast %eq3A_42 : i32 to vector<16xi32>
    %eq3A_44 = arith.cmpi eq, %rem3A_38, %eq3A_43 : vector<16xi32>
    %eq3A_45 = arith.constant 3 : i32
    %eq3A_46 = vector.broadcast %eq3A_45 : i32 to vector<16xi32>
    %eq3A_47 = arith.cmpi eq, %rem3A_38, %eq3A_46 : vector<16xi32>
    %eq3A_48 = arith.constant 4 : i32
    %eq3A_49 = vector.broadcast %eq3A_48 : i32 to vector<16xi32>
    %eq3A_50 = arith.cmpi eq, %rem3A_38, %eq3A_49 : vector<16xi32>
    %jit3A_51 = arith.constant 78 : i32
    %jit3A_52 = arith.constant 0 : i32
    %broadcast_in_dim3A_53 = vector.broadcast %jit3A_51 : i32 to vector<16xi32>
    %broadcast_in_dim3A_54 = vector.broadcast %jit3A_52 : i32 to vector<16xi32>
    %select_n3A_55 = arith.select %eq3A_50, %broadcast_in_dim3A_53, %broadcast_in_dim3A_54 : vector<16xi1>, vector<16xi32>
    %jit3A_56 = arith.constant 54 : i32
    %broadcast_in_dim3A_57 = vector.broadcast %jit3A_56 : i32 to vector<16xi32>
    %select_n3A_58 = arith.select %eq3A_47, %broadcast_in_dim3A_57, %select_n3A_55 : vector<16xi1>, vector<16xi32>
    %jit3A_59 = arith.constant 23 : i32
    %broadcast_in_dim3A_60 = vector.broadcast %jit3A_59 : i32 to vector<16xi32>
    %select_n3A_61 = arith.select %eq3A_44, %broadcast_in_dim3A_60, %select_n3A_58 : vector<16xi1>, vector<16xi32>
    %jit3A_62 = arith.constant 11 : i32
    %broadcast_in_dim3A_63 = vector.broadcast %jit3A_62 : i32 to vector<16xi32>
    %select_n3A_64 = arith.select %eq3A_41, %broadcast_in_dim3A_63, %select_n3A_61 : vector<16xi1>, vector<16xi32>
    %add3A_65 = arith.constant 2 : i32
    %add3A_66 = vector.broadcast %add3A_65 : i32 to vector<16xi32>
    %add3A_67 = arith.addi %iota3A, %add3A_66 : vector<16xi32>
    %rem3A_68 = arith.constant 5 : i32
    %rem3A_69 = vector.broadcast %rem3A_68 : i32 to vector<16xi32>
    %rem3A_70 = arith.remsi %add3A_67, %rem3A_69 : vector<16xi32>
    %eq3A_71 = arith.constant 1 : i32
    %eq3A_72 = vector.broadcast %eq3A_71 : i32 to vector<16xi32>
    %eq3A_73 = arith.cmpi eq, %rem3A_70, %eq3A_72 : vector<16xi32>
    %eq3A_74 = arith.constant 2 : i32
    %eq3A_75 = vector.broadcast %eq3A_74 : i32 to vector<16xi32>
    %eq3A_76 = arith.cmpi eq, %rem3A_70, %eq3A_75 : vector<16xi32>
    %eq3A_77 = arith.constant 3 : i32
    %eq3A_78 = vector.broadcast %eq3A_77 : i32 to vector<16xi32>
    %eq3A_79 = arith.cmpi eq, %rem3A_70, %eq3A_78 : vector<16xi32>
    %eq3A_80 = arith.constant 4 : i32
    %eq3A_81 = vector.broadcast %eq3A_80 : i32 to vector<16xi32>
    %eq3A_82 = arith.cmpi eq, %rem3A_70, %eq3A_81 : vector<16xi32>
    %jit3A_83 = arith.constant 78 : i32
    %jit3A_84 = arith.constant 0 : i32
    %broadcast_in_dim3A_85 = vector.broadcast %jit3A_83 : i32 to vector<16xi32>
    %broadcast_in_dim3A_86 = vector.broadcast %jit3A_84 : i32 to vector<16xi32>
    %select_n3A_87 = arith.select %eq3A_82, %broadcast_in_dim3A_85, %broadcast_in_dim3A_86 : vector<16xi1>, vector<16xi32>
    %jit3A_88 = arith.constant 54 : i32
    %broadcast_in_dim3A_89 = vector.broadcast %jit3A_88 : i32 to vector<16xi32>
    %select_n3A_90 = arith.select %eq3A_79, %broadcast_in_dim3A_89, %select_n3A_87 : vector<16xi1>, vector<16xi32>
    %jit3A_91 = arith.constant 23 : i32
    %broadcast_in_dim3A_92 = vector.broadcast %jit3A_91 : i32 to vector<16xi32>
    %select_n3A_93 = arith.select %eq3A_76, %broadcast_in_dim3A_92, %select_n3A_90 : vector<16xi1>, vector<16xi32>
    %jit3A_94 = arith.constant 11 : i32
    %broadcast_in_dim3A_95 = vector.broadcast %jit3A_94 : i32 to vector<16xi32>
    %select_n3A_96 = arith.select %eq3A_73, %broadcast_in_dim3A_95, %select_n3A_93 : vector<16xi1>, vector<16xi32>
    %add3A_97 = arith.constant 3 : i32
    %add3A_98 = vector.broadcast %add3A_97 : i32 to vector<16xi32>
    %add3A_99 = arith.addi %iota3A, %add3A_98 : vector<16xi32>
    %rem3A_100 = arith.constant 5 : i32
    %rem3A_101 = vector.broadcast %rem3A_100 : i32 to vector<16xi32>
    %rem3A_102 = arith.remsi %add3A_99, %rem3A_101 : vector<16xi32>
    %eq3A_103 = arith.constant 1 : i32
    %eq3A_104 = vector.broadcast %eq3A_103 : i32 to vector<16xi32>
    %eq3A_105 = arith.cmpi eq, %rem3A_102, %eq3A_104 : vector<16xi32>
    %eq3A_106 = arith.constant 2 : i32
    %eq3A_107 = vector.broadcast %eq3A_106 : i32 to vector<16xi32>
    %eq3A_108 = arith.cmpi eq, %rem3A_102, %eq3A_107 : vector<16xi32>
    %eq3A_109 = arith.constant 3 : i32
    %eq3A_110 = vector.broadcast %eq3A_109 : i32 to vector<16xi32>
    %eq3A_111 = arith.cmpi eq, %rem3A_102, %eq3A_110 : vector<16xi32>
    %eq3A_112 = arith.constant 4 : i32
    %eq3A_113 = vector.broadcast %eq3A_112 : i32 to vector<16xi32>
    %eq3A_114 = arith.cmpi eq, %rem3A_102, %eq3A_113 : vector<16xi32>
    %jit3A_115 = arith.constant 78 : i32
    %jit3A_116 = arith.constant 0 : i32
    %broadcast_in_dim3A_117 = vector.broadcast %jit3A_115 : i32 to vector<16xi32>
    %broadcast_in_dim3A_118 = vector.broadcast %jit3A_116 : i32 to vector<16xi32>
    %select_n3A_119 = arith.select %eq3A_114, %broadcast_in_dim3A_117, %broadcast_in_dim3A_118 : vector<16xi1>, vector<16xi32>
    %jit3A_120 = arith.constant 54 : i32
    %broadcast_in_dim3A_121 = vector.broadcast %jit3A_120 : i32 to vector<16xi32>
    %select_n3A_122 = arith.select %eq3A_111, %broadcast_in_dim3A_121, %select_n3A_119 : vector<16xi1>, vector<16xi32>
    %jit3A_123 = arith.constant 23 : i32
    %broadcast_in_dim3A_124 = vector.broadcast %jit3A_123 : i32 to vector<16xi32>
    %select_n3A_125 = arith.select %eq3A_108, %broadcast_in_dim3A_124, %select_n3A_122 : vector<16xi1>, vector<16xi32>
    %jit3A_126 = arith.constant 11 : i32
    %broadcast_in_dim3A_127 = vector.broadcast %jit3A_126 : i32 to vector<16xi32>
    %select_n3A_128 = arith.select %eq3A_105, %broadcast_in_dim3A_127, %select_n3A_125 : vector<16xi1>, vector<16xi32>
    %add3A_129 = arith.constant 4 : i32
    %add3A_130 = vector.broadcast %add3A_129 : i32 to vector<16xi32>
    %add3A_131 = arith.addi %iota3A, %add3A_130 : vector<16xi32>
    %rem3A_132 = arith.constant 5 : i32
    %rem3A_133 = vector.broadcast %rem3A_132 : i32 to vector<16xi32>
    %rem3A_134 = arith.remsi %add3A_131, %rem3A_133 : vector<16xi32>
    %eq3A_135 = arith.constant 1 : i32
    %eq3A_136 = vector.broadcast %eq3A_135 : i32 to vector<16xi32>
    %eq3A_137 = arith.cmpi eq, %rem3A_134, %eq3A_136 : vector<16xi32>
    %eq3A_138 = arith.constant 2 : i32
    %eq3A_139 = vector.broadcast %eq3A_138 : i32 to vector<16xi32>
    %eq3A_140 = arith.cmpi eq, %rem3A_134, %eq3A_139 : vector<16xi32>
    %eq3A_141 = arith.constant 3 : i32
    %eq3A_142 = vector.broadcast %eq3A_141 : i32 to vector<16xi32>
    %eq3A_143 = arith.cmpi eq, %rem3A_134, %eq3A_142 : vector<16xi32>
    %eq3A_144 = arith.constant 4 : i32
    %eq3A_145 = vector.broadcast %eq3A_144 : i32 to vector<16xi32>
    %eq3A_146 = arith.cmpi eq, %rem3A_134, %eq3A_145 : vector<16xi32>
    %jit3A_147 = arith.constant 78 : i32
    %jit3A_148 = arith.constant 0 : i32
    %broadcast_in_dim3A_149 = vector.broadcast %jit3A_147 : i32 to vector<16xi32>
    %broadcast_in_dim3A_150 = vector.broadcast %jit3A_148 : i32 to vector<16xi32>
    %select_n3A_151 = arith.select %eq3A_146, %broadcast_in_dim3A_149, %broadcast_in_dim3A_150 : vector<16xi1>, vector<16xi32>
    %jit3A_152 = arith.constant 54 : i32
    %broadcast_in_dim3A_153 = vector.broadcast %jit3A_152 : i32 to vector<16xi32>
    %select_n3A_154 = arith.select %eq3A_143, %broadcast_in_dim3A_153, %select_n3A_151 : vector<16xi1>, vector<16xi32>
    %jit3A_155 = arith.constant 23 : i32
    %broadcast_in_dim3A_156 = vector.broadcast %jit3A_155 : i32 to vector<16xi32>
    %select_n3A_157 = arith.select %eq3A_140, %broadcast_in_dim3A_156, %select_n3A_154 : vector<16xi1>, vector<16xi32>
    %jit3A_158 = arith.constant 11 : i32
    %broadcast_in_dim3A_159 = vector.broadcast %jit3A_158 : i32 to vector<16xi32>
    %select_n3A_160 = arith.select %eq3A_137, %broadcast_in_dim3A_159, %select_n3A_157 : vector<16xi1>, vector<16xi32>
    %scan3A = arith.constant 0 : i32
    %scan3A_161 = arith.constant 4 : i32
    %scan3A_162 = arith.addi %scan3A, %scan3A_161 : i32
    %scan3A_163 = arith.constant 1 : i32
    scf.for %scan3A_571 = %scan3A to %scan3A_162 step %scan3A_163  : i32 {
      %mul3A_572 = arith.constant 1 : i32
      %mul3A_573 = arith.muli %scan3A_571, %mul3A_572 : i32
      %add3A_574 = arith.constant 0 : i32
      %add3A_575 = arith.addi %add3A_574, %mul3A_573 : i32
      %mul3A_576 = arith.constant 640 : i32
      %mul3A_577 = arith.muli %add3A_575, %mul3A_576 : i32
      %add3A_578 = arith.constant 0 : i32
      %add3A_579 = arith.addi %mul3A_577, %add3A_578 : i32
      %get3A = arith.index_cast %add3A_579 : i32 to index
      %get3A_580 = tpu.vector_load %arg5[%get3A] {strides = array<i32>} : memref<2560xi32, #tpu.memory_space<vmem>>, vector<16xi32>,
      %get3A_581 = vector.shape_cast %get3A_580 : vector<16xi32> to vector<16xi32>
      %add3A_582 = arith.addi %get3A_581, %select_n3A_32 : vector<16xi32>
      %swap3A = arith.index_cast %add3A_579 : i32 to index
      %swap3A_583 = tpu.vector_load %arg5[%swap3A] {strides = array<i32>} : memref<2560xi32, #tpu.memory_space<vmem>>, vector<16xi32>,
      %swap3A_584 = vector.shape_cast %swap3A_583 : vector<16xi32> to vector<16xi32>
      %swap3A_585 = vector.shape_cast %add3A_582 : vector<16xi32> to vector<16xi32>
      tpu.vector_store %arg5[%swap3A], %swap3A_585 {strides = array<i32>} : memref<2560xi32, #tpu.memory_space<vmem>>, vector<16xi32>,
      %mul3A_586 = arith.constant 640 : i32
      %mul3A_587 = arith.muli %add3A_575, %mul3A_586 : i32
      %add3A_588 = arith.constant 16 : i32
      %add3A_589 = arith.addi %mul3A_587, %add3A_588 : i32
      %get3A_590 = arith.index_cast %add3A_589 : i32 to index
      %get3A_591 = tpu.vector_load %arg5[%get3A_590] {strides = array<i32>} : memref<2560xi32, #tpu.memory_space<vmem>>, vector<16xi32>,
      %get3A_592 = vector.shape_cast %get3A_591 : vector<16xi32> to vector<16xi32>
      %add3A_593 = arith.addi %get3A_592, %select_n3A_64 : vector<16xi32>
      %swap3A_594 = arith.index_cast %add3A_589 : i32 to index
      %swap3A_595 = tpu.vector_load %arg5[%swap3A_594] {strides = array<i32>} : memref<2560xi32, #tpu.memory_space<vmem>>, vector<16xi32>,
      %swap3A_596 = vector.shape_cast %swap3A_595 : vector<16xi32> to vector<16xi32>
      %swap3A_597 = vector.shape_cast %add3A_593 : vector<16xi32> to vector<16xi32>
      tpu.vector_store %arg5[%swap3A_594], %swap3A_597 {strides = array<i32>} : memref<2560xi32, #tpu.memory_space<vmem>>, vector<16xi32>,
      %mul3A_598 = arith.constant 640 : i32
      %mul3A_599 = arith.muli %add3A_575, %mul3A_598 : i32
      %add3A_600 = arith.constant 32 : i32
      %add3A_601 = arith.addi %mul3A_599, %add3A_600 : i32
      %get3A_602 = arith.index_cast %add3A_601 : i32 to index
      %get3A_603 = tpu.vector_load %arg5[%get3A_602] {strides = array<i32>} : memref<2560xi32, #tpu.memory_space<vmem>>, vector<16xi32>,
      %get3A_604 = vector.shape_cast %get3A_603 : vector<16xi32> to vector<16xi32>
      %add3A_605 = arith.addi %get3A_604, %select_n3A_96 : vector<16xi32>
      %swap3A_606 = arith.index_cast %add3A_601 : i32 to index
      %swap3A_607 = tpu.vector_load %arg5[%swap3A_606] {strides = array<i32>} : memref<2560xi32, #tpu.memory_space<vmem>>, vector<16xi32>,
      %swap3A_608 = vector.shape_cast %swap3A_607 : vector<16xi32> to vector<16xi32>
      %swap3A_609 = vector.shape_cast %add3A_605 : vector<16xi32> to vector<16xi32>
      tpu.vector_store %arg5[%swap3A_606], %swap3A_609 {strides = array<i32>} : memref<2560xi32, #tpu.memory_space<vmem>>, vector<16xi32>,
      %mul3A_610 = arith.constant 640 : i32
      %mul3A_611 = arith.muli %add3A_575, %mul3A_610 : i32
      %add3A_612 = arith.constant 48 : i32
      %add3A_613 = arith.addi %mul3A_611, %add3A_612 : i32
      %get3A_614 = arith.index_cast %add3A_613 : i32 to index
      %get3A_615 = tpu.vector_load %arg5[%get3A_614] {strides = array<i32>} : memref<2560xi32, #tpu.memory_space<vmem>>, vector<16xi32>,
      %get3A_616 = vector.shape_cast %get3A_615 : vector<16xi32> to vector<16xi32>
      %add3A_617 = arith.addi %get3A_616, %select_n3A_128 : vector<16xi32>
      %swap3A_618 = arith.index_cast %add3A_613 : i32 to index
      %swap3A_619 = tpu.vector_load %arg5[%swap3A_618] {strides = array<i32>} : memref<2560xi32, #tpu.memory_space<vmem>>, vector<16xi32>,
      %swap3A_620 = vector.shape_cast %swap3A_619 : vector<16xi32> to vector<16xi32>
      %swap3A_621 = vector.shape_cast %add3A_617 : vector<16xi32> to vector<16xi32>
      tpu.vector_store %arg5[%swap3A_618], %swap3A_621 {strides = array<i32>} : memref<2560xi32, #tpu.memory_space<vmem>>, vector<16xi32>,
      %mul3A_622 = arith.constant 640 : i32
      %mul3A_623 = arith.muli %add3A_575, %mul3A_622 : i32
      %add3A_624 = arith.constant 64 : i32
      %add3A_625 = arith.addi %mul3A_623, %add3A_624 : i32
      %get3A_626 = arith.index_cast %add3A_625 : i32 to index
      %get3A_627 = tpu.vector_load %arg5[%get3A_626] {strides = array<i32>} : memref<2560xi32, #tpu.memory_space<vmem>>, vector<16xi32>,
      %get3A_628 = vector.shape_cast %get3A_627 : vector<16xi32> to vector<16xi32>
      %add3A_629 = arith.addi %get3A_628, %select_n3A_160 : vector<16xi32>
      %swap3A_630 = arith.index_cast %add3A_625 : i32 to index
      %swap3A_631 = tpu.vector_load %arg5[%swap3A_630] {strides = array<i32>} : memref<2560xi32, #tpu.memory_space<vmem>>, vector<16xi32>,
      %swap3A_632 = vector.shape_cast %swap3A_631 : vector<16xi32> to vector<16xi32>
      %swap3A_633 = vector.shape_cast %add3A_629 : vector<16xi32> to vector<16xi32>
      tpu.vector_store %arg5[%swap3A_630], %swap3A_633 {strides = array<i32>} : memref<2560xi32, #tpu.memory_space<vmem>>, vector<16xi32>,
      %mul3A_634 = arith.constant 640 : i32
      %mul3A_635 = arith.muli %add3A_575, %mul3A_634 : i32
      %add3A_636 = arith.constant 80 : i32
      %add3A_637 = arith.addi %mul3A_635, %add3A_636 : i32
      %get3A_638 = arith.index_cast %add3A_637 : i32 to index
      %get3A_639 = tpu.vector_load %arg5[%get3A_638] {strides = array<i32>} : memref<2560xi32, #tpu.memory_space<vmem>>, vector<16xi32>,
      %get3A_640 = vector.shape_cast %get3A_639 : vector<16xi32> to vector<16xi32>
      %add3A_641 = arith.addi %get3A_640, %select_n3A_32 : vector<16xi32>
      %swap3A_642 = arith.index_cast %add3A_637 : i32 to index
      %swap3A_643 = tpu.vector_load %arg5[%swap3A_642] {strides = array<i32>} : memref<2560xi32, #tpu.memory_space<vmem>>, vector<16xi32>,
      %swap3A_644 = vector.shape_cast %swap3A_643 : vector<16xi32> to vector<16xi32>
      %swap3A_645 = vector.shape_cast %add3A_641 : vector<16xi32> to vector<16xi32>
      tpu.vector_store %arg5[%swap3A_642], %swap3A_645 {strides = array<i32>} : memref<2560xi32, #tpu.memory_space<vmem>>, vector<16xi32>,
      %mul3A_646 = arith.constant 640 : i32
      %mul3A_647 = arith.muli %add3A_575, %mul3A_646 : i32
      %add3A_648 = arith.constant 96 : i32
      %add3A_649 = arith.addi %mul3A_647, %add3A_648 : i32
      %get3A_650 = arith.index_cast %add3A_649 : i32 to index
      %get3A_651 = tpu.vector_load %arg5[%get3A_650] {strides = array<i32>} : memref<2560xi32, #tpu.memory_space<vmem>>, vector<16xi32>,
      %get3A_652 = vector.shape_cast %get3A_651 : vector<16xi32> to vector<16xi32>
      %add3A_653 = arith.addi %get3A_652, %select_n3A_64 : vector<16xi32>
      %swap3A_654 = arith.index_cast %add3A_649 : i32 to index
      %swap3A_655 = tpu.vector_load %arg5[%swap3A_654] {strides = array<i32>} : memref<2560xi32, #tpu.memory_space<vmem>>, vector<16xi32>,
      %swap3A_656 = vector.shape_cast %swap3A_655 : vector<16xi32> to vector<16xi32>
      %swap3A_657 = vector.shape_cast %add3A_653 : vector<16xi32> to vector<16xi32>
      tpu.vector_store %arg5[%swap3A_654], %swap3A_657 {strides = array<i32>} : memref<2560xi32, #tpu.memory_space<vmem>>, vector<16xi32>,
      %mul3A_658 = arith.constant 640 : i32
      %mul3A_659 = arith.muli %add3A_575, %mul3A_658 : i32
      %add3A_660 = arith.constant 112 : i32
      %add3A_661 = arith.addi %mul3A_659, %add3A_660 : i32
      %get3A_662 = arith.index_cast %add3A_661 : i32 to index
      %get3A_663 = tpu.vector_load %arg5[%get3A_662] {strides = array<i32>} : memref<2560xi32, #tpu.memory_space<vmem>>, vector<16xi32>,
      %get3A_664 = vector.shape_cast %get3A_663 : vector<16xi32> to vector<16xi32>
      %add3A_665 = arith.addi %get3A_664, %select_n3A_96 : vector<16xi32>
      %swap3A_666 = arith.index_cast %add3A_661 : i32 to index
      %swap3A_667 = tpu.vector_load %arg5[%swap3A_666] {strides = array<i32>} : memref<2560xi32, #tpu.memory_space<vmem>>, vector<16xi32>,
      %swap3A_668 = vector.shape_cast %swap3A_667 : vector<16xi32> to vector<16xi32>
      %swap3A_669 = vector.shape_cast %add3A_665 : vector<16xi32> to vector<16xi32>
      tpu.vector_store %arg5[%swap3A_666], %swap3A_669 {strides = array<i32>} : memref<2560xi32, #tpu.memory_space<vmem>>, vector<16xi32>,
      %mul3A_670 = arith.constant 640 : i32
      %mul3A_671 = arith.muli %add3A_575, %mul3A_670 : i32
      %add3A_672 = arith.constant 128 : i32
      %add3A_673 = arith.addi %mul3A_671, %add3A_672 : i32
      %get3A_674 = arith.index_cast %add3A_673 : i32 to index
      %get3A_675 = tpu.vector_load %arg5[%get3A_674] {strides = array<i32>} : memref<2560xi32, #tpu.memory_space<vmem>>, vector<16xi32>,
      %get3A_676 = vector.shape_cast %get3A_675 : vector<16xi32> to vector<16xi32>
      %add3A_677 = arith.addi %get3A_676, %select_n3A_128 : vector<16xi32>
      %swap3A_678 = arith.index_cast %add3A_673 : i32 to index
      %swap3A_679 = tpu.vector_load %arg5[%swap3A_678] {strides = array<i32>} : memref<2560xi32, #tpu.memory_space<vmem>>, vector<16xi32>,
      %swap3A_680 = vector.shape_cast %swap3A_679 : vector<16xi32> to vector<16xi32>
      %swap3A_681 = vector.shape_cast %add3A_677 : vector<16xi32> to vector<16xi32>
      tpu.vector_store %arg5[%swap3A_678], %swap3A_681 {strides = array<i32>} : memref<2560xi32, #tpu.memory_space<vmem>>, vector<16xi32>,
      %mul3A_682 = arith.constant 640 : i32
      %mul3A_683 = arith.muli %add3A_575, %mul3A_682 : i32
      %add3A_684 = arith.constant 144 : i32
      %add3A_685 = arith.addi %mul3A_683, %add3A_684 : i32
      %get3A_686 = arith.index_cast %add3A_685 : i32 to index
      %get3A_687 = tpu.vector_load %arg5[%get3A_686] {strides = array<i32>} : memref<2560xi32, #tpu.memory_space<vmem>>, vector<16xi32>,
      %get3A_688 = vector.shape_cast %get3A_687 : vector<16xi32> to vector<16xi32>
      %add3A_689 = arith.addi %get3A_688, %select_n3A_160 : vector<16xi32>
      %swap3A_690 = arith.index_cast %add3A_685 : i32 to index
      %swap3A_691 = tpu.vector_load %arg5[%swap3A_690] {strides = array<i32>} : memref<2560xi32, #tpu.memory_space<vmem>>, vector<16xi32>,
      %swap3A_692 = vector.shape_cast %swap3A_691 : vector<16xi32> to vector<16xi32>
      %swap3A_693 = vector.shape_cast %add3A_689 : vector<16xi32> to vector<16xi32>
      tpu.vector_store %arg5[%swap3A_690], %swap3A_693 {strides = array<i32>} : memref<2560xi32, #tpu.memory_space<vmem>>, vector<16xi32>,
      %mul3A_694 = arith.constant 640 : i32
      %mul3A_695 = arith.muli %add3A_575, %mul3A_694 : i32
      %add3A_696 = arith.constant 160 : i32
      %add3A_697 = arith.addi %mul3A_695, %add3A_696 : i32
      %get3A_698 = arith.index_cast %add3A_697 : i32 to index
      %get3A_699 = tpu.vector_load %arg5[%get3A_698] {strides = array<i32>} : memref<2560xi32, #tpu.memory_space<vmem>>, vector<16xi32>,
      %get3A_700 = vector.shape_cast %get3A_699 : vector<16xi32> to vector<16xi32>
      %add3A_701 = arith.addi %get3A_700, %select_n3A_32 : vector<16xi32>
      %swap3A_702 = arith.index_cast %add3A_697 : i32 to index
      %swap3A_703 = tpu.vector_load %arg5[%swap3A_702] {strides = array<i32>} : memref<2560xi32, #tpu.memory_space<vmem>>, vector<16xi32>,
      %swap3A_704 = vector.shape_cast %swap3A_703 : vector<16xi32> to vector<16xi32>
      %swap3A_705 = vector.shape_cast %add3A_701 : vector<16xi32> to vector<16xi32>
      tpu.vector_store %arg5[%swap3A_702], %swap3A_705 {strides = array<i32>} : memref<2560xi32, #tpu.memory_space<vmem>>, vector<16xi32>,
      %mul3A_706 = arith.constant 640 : i32
      %mul3A_707 = arith.muli %add3A_575, %mul3A_706 : i32
      %add3A_708 = arith.constant 176 : i32
      %add3A_709 = arith.addi %mul3A_707, %add3A_708 : i32
      %get3A_710 = arith.index_cast %add3A_709 : i32 to index
      %get3A_711 = tpu.vector_load %arg5[%get3A_710] {strides = array<i32>} : memref<2560xi32, #tpu.memory_space<vmem>>, vector<16xi32>,
      %get3A_712 = vector.shape_cast %get3A_711 : vector<16xi32> to vector<16xi32>
      %add3A_713 = arith.addi %get3A_712, %select_n3A_64 : vector<16xi32>
      %swap3A_714 = arith.index_cast %add3A_709 : i32 to index
      %swap3A_715 = tpu.vector_load %arg5[%swap3A_714] {strides = array<i32>} : memref<2560xi32, #tpu.memory_space<vmem>>, vector<16xi32>,
      %swap3A_716 = vector.shape_cast %swap3A_715 : vector<16xi32> to vector<16xi32>
      %swap3A_717 = vector.shape_cast %add3A_713 : vector<16xi32> to vector<16xi32>
      tpu.vector_store %arg5[%swap3A_714], %swap3A_717 {strides = array<i32>} : memref<2560xi32, #tpu.memory_space<vmem>>, vector<16xi32>,
      %mul3A_718 = arith.constant 640 : i32
      %mul3A_719 = arith.muli %add3A_575, %mul3A_718 : i32
      %add3A_720 = arith.constant 192 : i32
      %add3A_721 = arith.addi %mul3A_719, %add3A_720 : i32
      %get3A_722 = arith.index_cast %add3A_721 : i32 to index
      %get3A_723 = tpu.vector_load %arg5[%get3A_722] {strides = array<i32>} : memref<2560xi32, #tpu.memory_space<vmem>>, vector<16xi32>,
      %get3A_724 = vector.shape_cast %get3A_723 : vector<16xi32> to vector<16xi32>
      %add3A_725 = arith.addi %get3A_724, %select_n3A_96 : vector<16xi32>
      %swap3A_726 = arith.index_cast %add3A_721 : i32 to index
      %swap3A_727 = tpu.vector_load %arg5[%swap3A_726] {strides = array<i32>} : memref<2560xi32, #tpu.memory_space<vmem>>, vector<16xi32>,
      %swap3A_728 = vector.shape_cast %swap3A_727 : vector<16xi32> to vector<16xi32>
      %swap3A_729 = vector.shape_cast %add3A_725 : vector<16xi32> to vector<16xi32>
      tpu.vector_store %arg5[%swap3A_726], %swap3A_729 {strides = array<i32>} : memref<2560xi32, #tpu.memory_space<vmem>>, vector<16xi32>,
      %mul3A_730 = arith.constant 640 : i32
      %mul3A_731 = arith.muli %add3A_575, %mul3A_730 : i32
      %add3A_732 = arith.constant 208 : i32
      %add3A_733 = arith.addi %mul3A_731, %add3A_732 : i32
      %get3A_734 = arith.index_cast %add3A_733 : i32 to index
      %get3A_735 = tpu.vector_load %arg5[%get3A_734] {strides = array<i32>} : memref<2560xi32, #tpu.memory_space<vmem>>, vector<16xi32>,
      %get3A_736 = vector.shape_cast %get3A_735 : vector<16xi32> to vector<16xi32>
      %add3A_737 = arith.addi %get3A_736, %select_n3A_128 : vector<16xi32>
      %swap3A_738 = arith.index_cast %add3A_733 : i32 to index
      %swap3A_739 = tpu.vector_load %arg5[%swap3A_738] {strides = array<i32>} : memref<2560xi32, #tpu.memory_space<vmem>>, vector<16xi32>,
      %swap3A_740 = vector.shape_cast %swap3A_739 : vector<16xi32> to vector<16xi32>
      %swap3A_741 = vector.shape_cast %add3A_737 : vector<16xi32> to vector<16xi32>
      tpu.vector_store %arg5[%swap3A_738], %swap3A_741 {strides = array<i32>} : memref<2560xi32, #tpu.memory_space<vmem>>, vector<16xi32>,
      %mul3A_742 = arith.constant 640 : i32
      %mul3A_743 = arith.muli %add3A_575, %mul3A_742 : i32
      %add3A_744 = arith.constant 224 : i32
      %add3A_745 = arith.addi %mul3A_743, %add3A_744 : i32
      %get3A_746 = arith.index_cast %add3A_745 : i32 to index
      %get3A_747 = tpu.vector_load %arg5[%get3A_746] {strides = array<i32>} : memref<2560xi32, #tpu.memory_space<vmem>>, vector<16xi32>,
      %get3A_748 = vector.shape_cast %get3A_747 : vector<16xi32> to vector<16xi32>
      %add3A_749 = arith.addi %get3A_748, %select_n3A_160 : vector<16xi32>
      %swap3A_750 = arith.index_cast %add3A_745 : i32 to index
      %swap3A_751 = tpu.vector_load %arg5[%swap3A_750] {strides = array<i32>} : memref<2560xi32, #tpu.memory_space<vmem>>, vector<16xi32>,
      %swap3A_752 = vector.shape_cast %swap3A_751 : vector<16xi32> to vector<16xi32>
      %swap3A_753 = vector.shape_cast %add3A_749 : vector<16xi32> to vector<16xi32>
      tpu.vector_store %arg5[%swap3A_750], %swap3A_753 {strides = array<i32>} : memref<2560xi32, #tpu.memory_space<vmem>>, vector<16xi32>,
      %mul3A_754 = arith.constant 640 : i32
      %mul3A_755 = arith.muli %add3A_575, %mul3A_754 : i32
      %add3A_756 = arith.constant 240 : i32
      %add3A_757 = arith.addi %mul3A_755, %add3A_756 : i32
      %get3A_758 = arith.index_cast %add3A_757 : i32 to index
      %get3A_759 = tpu.vector_load %arg5[%get3A_758] {strides = array<i32>} : memref<2560xi32, #tpu.memory_space<vmem>>, vector<16xi32>,
      %get3A_760 = vector.shape_cast %get3A_759 : vector<16xi32> to vector<16xi32>
      %add3A_761 = arith.addi %get3A_760, %select_n3A_32 : vector<16xi32>
      %swap3A_762 = arith.index_cast %add3A_757 : i32 to index
      %swap3A_763 = tpu.vector_load %arg5[%swap3A_762] {strides = array<i32>} : memref<2560xi32, #tpu.memory_space<vmem>>, vector<16xi32>,
      %swap3A_764 = vector.shape_cast %swap3A_763 : vector<16xi32> to vector<16xi32>
      %swap3A_765 = vector.shape_cast %add3A_761 : vector<16xi32> to vector<16xi32>
      tpu.vector_store %arg5[%swap3A_762], %swap3A_765 {strides = array<i32>} : memref<2560xi32, #tpu.memory_space<vmem>>, vector<16xi32>,
      %mul3A_766 = arith.constant 640 : i32
      %mul3A_767 = arith.muli %add3A_575, %mul3A_766 : i32
      %add3A_768 = arith.constant 256 : i32
      %add3A_769 = arith.addi %mul3A_767, %add3A_768 : i32
      %get3A_770 = arith.index_cast %add3A_769 : i32 to index
      %get3A_771 = tpu.vector_load %arg5[%get3A_770] {strides = array<i32>} : memref<2560xi32, #tpu.memory_space<vmem>>, vector<16xi32>,
      %get3A_772 = vector.shape_cast %get3A_771 : vector<16xi32> to vector<16xi32>
      %add3A_773 = arith.addi %get3A_772, %select_n3A_64 : vector<16xi32>
      %swap3A_774 = arith.index_cast %add3A_769 : i32 to index
      %swap3A_775 = tpu.vector_load %arg5[%swap3A_774] {strides = array<i32>} : memref<2560xi32, #tpu.memory_space<vmem>>, vector<16xi32>,
      %swap3A_776 = vector.shape_cast %swap3A_775 : vector<16xi32> to vector<16xi32>
      %swap3A_777 = vector.shape_cast %add3A_773 : vector<16xi32> to vector<16xi32>
      tpu.vector_store %arg5[%swap3A_774], %swap3A_777 {strides = array<i32>} : memref<2560xi32, #tpu.memory_space<vmem>>, vector<16xi32>,
      %mul3A_778 = arith.constant 640 : i32
      %mul3A_779 = arith.muli %add3A_575, %mul3A_778 : i32
      %add3A_780 = arith.constant 272 : i32
      %add3A_781 = arith.addi %mul3A_779, %add3A_780 : i32
      %get3A_782 = arith.index_cast %add3A_781 : i32 to index
      %get3A_783 = tpu.vector_load %arg5[%get3A_782] {strides = array<i32>} : memref<2560xi32, #tpu.memory_space<vmem>>, vector<16xi32>,
      %get3A_784 = vector.shape_cast %get3A_783 : vector<16xi32> to vector<16xi32>
      %add3A_785 = arith.addi %get3A_784, %select_n3A_96 : vector<16xi32>
      %swap3A_786 = arith.index_cast %add3A_781 : i32 to index
      %swap3A_787 = tpu.vector_load %arg5[%swap3A_786] {strides = array<i32>} : memref<2560xi32, #tpu.memory_space<vmem>>, vector<16xi32>,
      %swap3A_788 = vector.shape_cast %swap3A_787 : vector<16xi32> to vector<16xi32>
      %swap3A_789 = vector.shape_cast %add3A_785 : vector<16xi32> to vector<16xi32>
      tpu.vector_store %arg5[%swap3A_786], %swap3A_789 {strides = array<i32>} : memref<2560xi32, #tpu.memory_space<vmem>>, vector<16xi32>,
      %mul3A_790 = arith.constant 640 : i32
      %mul3A_791 = arith.muli %add3A_575, %mul3A_790 : i32
      %add3A_792 = arith.constant 288 : i32
      %add3A_793 = arith.addi %mul3A_791, %add3A_792 : i32
      %get3A_794 = arith.index_cast %add3A_793 : i32 to index
      %get3A_795 = tpu.vector_load %arg5[%get3A_794] {strides = array<i32>} : memref<2560xi32, #tpu.memory_space<vmem>>, vector<16xi32>,
      %get3A_796 = vector.shape_cast %get3A_795 : vector<16xi32> to vector<16xi32>
      %add3A_797 = arith.addi %get3A_796, %select_n3A_128 : vector<16xi32>
      %swap3A_798 = arith.index_cast %add3A_793 : i32 to index
      %swap3A_799 = tpu.vector_load %arg5[%swap3A_798] {strides = array<i32>} : memref<2560xi32, #tpu.memory_space<vmem>>, vector<16xi32>,
      %swap3A_800 = vector.shape_cast %swap3A_799 : vector<16xi32> to vector<16xi32>
      %swap3A_801 = vector.shape_cast %add3A_797 : vector<16xi32> to vector<16xi32>
      tpu.vector_store %arg5[%swap3A_798], %swap3A_801 {strides = array<i32>} : memref<2560xi32, #tpu.memory_space<vmem>>, vector<16xi32>,
      %mul3A_802 = arith.constant 640 : i32
      %mul3A_803 = arith.muli %add3A_575, %mul3A_802 : i32
      %add3A_804 = arith.constant 304 : i32
      %add3A_805 = arith.addi %mul3A_803, %add3A_804 : i32
      %get3A_806 = arith.index_cast %add3A_805 : i32 to index
      %get3A_807 = tpu.vector_load %arg5[%get3A_806] {strides = array<i32>} : memref<2560xi32, #tpu.memory_space<vmem>>, vector<16xi32>,
      %get3A_808 = vector.shape_cast %get3A_807 : vector<16xi32> to vector<16xi32>
      %add3A_809 = arith.addi %get3A_808, %select_n3A_160 : vector<16xi32>
      %swap3A_810 = arith.index_cast %add3A_805 : i32 to index
      %swap3A_811 = tpu.vector_load %arg5[%swap3A_810] {strides = array<i32>} : memref<2560xi32, #tpu.memory_space<vmem>>, vector<16xi32>,
      %swap3A_812 = vector.shape_cast %swap3A_811 : vector<16xi32> to vector<16xi32>
      %swap3A_813 = vector.shape_cast %add3A_809 : vector<16xi32> to vector<16xi32>
      tpu.vector_store %arg5[%swap3A_810], %swap3A_813 {strides = array<i32>} : memref<2560xi32, #tpu.memory_space<vmem>>, vector<16xi32>,
      %mul3A_814 = arith.constant 640 : i32
      %mul3A_815 = arith.muli %add3A_575, %mul3A_814 : i32
      %add3A_816 = arith.constant 320 : i32
      %add3A_817 = arith.addi %mul3A_815, %add3A_816 : i32
      %get3A_818 = arith.index_cast %add3A_817 : i32 to index
      %get3A_819 = tpu.vector_load %arg5[%get3A_818] {strides = array<i32>} : memref<2560xi32, #tpu.memory_space<vmem>>, vector<16xi32>,
      %get3A_820 = vector.shape_cast %get3A_819 : vector<16xi32> to vector<16xi32>
      %add3A_821 = arith.addi %get3A_820, %select_n3A_32 : vector<16xi32>
      %swap3A_822 = arith.index_cast %add3A_817 : i32 to index
      %swap3A_823 = tpu.vector_load %arg5[%swap3A_822] {strides = array<i32>} : memref<2560xi32, #tpu.memory_space<vmem>>, vector<16xi32>,
      %swap3A_824 = vector.shape_cast %swap3A_823 : vector<16xi32> to vector<16xi32>
      %swap3A_825 = vector.shape_cast %add3A_821 : vector<16xi32> to vector<16xi32>
      tpu.vector_store %arg5[%swap3A_822], %swap3A_825 {strides = array<i32>} : memref<2560xi32, #tpu.memory_space<vmem>>, vector<16xi32>,
      %mul3A_826 = arith.constant 640 : i32
      %mul3A_827 = arith.muli %add3A_575, %mul3A_826 : i32
      %add3A_828 = arith.constant 336 : i32
      %add3A_829 = arith.addi %mul3A_827, %add3A_828 : i32
      %get3A_830 = arith.index_cast %add3A_829 : i32 to index
      %get3A_831 = tpu.vector_load %arg5[%get3A_830] {strides = array<i32>} : memref<2560xi32, #tpu.memory_space<vmem>>, vector<16xi32>,
      %get3A_832 = vector.shape_cast %get3A_831 : vector<16xi32> to vector<16xi32>
      %add3A_833 = arith.addi %get3A_832, %select_n3A_64 : vector<16xi32>
      %swap3A_834 = arith.index_cast %add3A_829 : i32 to index
      %swap3A_835 = tpu.vector_load %arg5[%swap3A_834] {strides = array<i32>} : memref<2560xi32, #tpu.memory_space<vmem>>, vector<16xi32>,
      %swap3A_836 = vector.shape_cast %swap3A_835 : vector<16xi32> to vector<16xi32>
      %swap3A_837 = vector.shape_cast %add3A_833 : vector<16xi32> to vector<16xi32>
      tpu.vector_store %arg5[%swap3A_834], %swap3A_837 {strides = array<i32>} : memref<2560xi32, #tpu.memory_space<vmem>>, vector<16xi32>,
      %mul3A_838 = arith.constant 640 : i32
      %mul3A_839 = arith.muli %add3A_575, %mul3A_838 : i32
      %add3A_840 = arith.constant 352 : i32
      %add3A_841 = arith.addi %mul3A_839, %add3A_840 : i32
      %get3A_842 = arith.index_cast %add3A_841 : i32 to index
      %get3A_843 = tpu.vector_load %arg5[%get3A_842] {strides = array<i32>} : memref<2560xi32, #tpu.memory_space<vmem>>, vector<16xi32>,
      %get3A_844 = vector.shape_cast %get3A_843 : vector<16xi32> to vector<16xi32>
      %add3A_845 = arith.addi %get3A_844, %select_n3A_96 : vector<16xi32>
      %swap3A_846 = arith.index_cast %add3A_841 : i32 to index
      %swap3A_847 = tpu.vector_load %arg5[%swap3A_846] {strides = array<i32>} : memref<2560xi32, #tpu.memory_space<vmem>>, vector<16xi32>,
      %swap3A_848 = vector.shape_cast %swap3A_847 : vector<16xi32> to vector<16xi32>
      %swap3A_849 = vector.shape_cast %add3A_845 : vector<16xi32> to vector<16xi32>
      tpu.vector_store %arg5[%swap3A_846], %swap3A_849 {strides = array<i32>} : memref<2560xi32, #tpu.memory_space<vmem>>, vector<16xi32>,
      %mul3A_850 = arith.constant 640 : i32
      %mul3A_851 = arith.muli %add3A_575, %mul3A_850 : i32
      %add3A_852 = arith.constant 368 : i32
      %add3A_853 = arith.addi %mul3A_851, %add3A_852 : i32
      %get3A_854 = arith.index_cast %add3A_853 : i32 to index
      %get3A_855 = tpu.vector_load %arg5[%get3A_854] {strides = array<i32>} : memref<2560xi32, #tpu.memory_space<vmem>>, vector<16xi32>,
      %get3A_856 = vector.shape_cast %get3A_855 : vector<16xi32> to vector<16xi32>
      %add3A_857 = arith.addi %get3A_856, %select_n3A_128 : vector<16xi32>
      %swap3A_858 = arith.index_cast %add3A_853 : i32 to index
      %swap3A_859 = tpu.vector_load %arg5[%swap3A_858] {strides = array<i32>} : memref<2560xi32, #tpu.memory_space<vmem>>, vector<16xi32>,
      %swap3A_860 = vector.shape_cast %swap3A_859 : vector<16xi32> to vector<16xi32>
      %swap3A_861 = vector.shape_cast %add3A_857 : vector<16xi32> to vector<16xi32>
      tpu.vector_store %arg5[%swap3A_858], %swap3A_861 {strides = array<i32>} : memref<2560xi32, #tpu.memory_space<vmem>>, vector<16xi32>,
      %mul3A_862 = arith.constant 640 : i32
      %mul3A_863 = arith.muli %add3A_575, %mul3A_862 : i32
      %add3A_864 = arith.constant 384 : i32
      %add3A_865 = arith.addi %mul3A_863, %add3A_864 : i32
      %get3A_866 = arith.index_cast %add3A_865 : i32 to index
      %get3A_867 = tpu.vector_load %arg5[%get3A_866] {strides = array<i32>} : memref<2560xi32, #tpu.memory_space<vmem>>, vector<16xi32>,
      %get3A_868 = vector.shape_cast %get3A_867 : vector<16xi32> to vector<16xi32>
      %add3A_869 = arith.addi %get3A_868, %select_n3A_160 : vector<16xi32>
      %swap3A_870 = arith.index_cast %add3A_865 : i32 to index
      %swap3A_871 = tpu.vector_load %arg5[%swap3A_870] {strides = array<i32>} : memref<2560xi32, #tpu.memory_space<vmem>>, vector<16xi32>,
      %swap3A_872 = vector.shape_cast %swap3A_871 : vector<16xi32> to vector<16xi32>
      %swap3A_873 = vector.shape_cast %add3A_869 : vector<16xi32> to vector<16xi32>
      tpu.vector_store %arg5[%swap3A_870], %swap3A_873 {strides = array<i32>} : memref<2560xi32, #tpu.memory_space<vmem>>, vector<16xi32>,
      %mul3A_874 = arith.constant 640 : i32
      %mul3A_875 = arith.muli %add3A_575, %mul3A_874 : i32
      %add3A_876 = arith.constant 400 : i32
      %add3A_877 = arith.addi %mul3A_875, %add3A_876 : i32
      %get3A_878 = arith.index_cast %add3A_877 : i32 to index
      %get3A_879 = tpu.vector_load %arg5[%get3A_878] {strides = array<i32>} : memref<2560xi32, #tpu.memory_space<vmem>>, vector<16xi32>,
      %get3A_880 = vector.shape_cast %get3A_879 : vector<16xi32> to vector<16xi32>
      %add3A_881 = arith.addi %get3A_880, %select_n3A_32 : vector<16xi32>
      %swap3A_882 = arith.index_cast %add3A_877 : i32 to index
      %swap3A_883 = tpu.vector_load %arg5[%swap3A_882] {strides = array<i32>} : memref<2560xi32, #tpu.memory_space<vmem>>, vector<16xi32>,
      %swap3A_884 = vector.shape_cast %swap3A_883 : vector<16xi32> to vector<16xi32>
      %swap3A_885 = vector.shape_cast %add3A_881 : vector<16xi32> to vector<16xi32>
      tpu.vector_store %arg5[%swap3A_882], %swap3A_885 {strides = array<i32>} : memref<2560xi32, #tpu.memory_space<vmem>>, vector<16xi32>,
      %mul3A_886 = arith.constant 640 : i32
      %mul3A_887 = arith.muli %add3A_575, %mul3A_886 : i32
      %add3A_888 = arith.constant 416 : i32
      %add3A_889 = arith.addi %mul3A_887, %add3A_888 : i32
      %get3A_890 = arith.index_cast %add3A_889 : i32 to index
      %get3A_891 = tpu.vector_load %arg5[%get3A_890] {strides = array<i32>} : memref<2560xi32, #tpu.memory_space<vmem>>, vector<16xi32>,
      %get3A_892 = vector.shape_cast %get3A_891 : vector<16xi32> to vector<16xi32>
      %add3A_893 = arith.addi %get3A_892, %select_n3A_64 : vector<16xi32>
      %swap3A_894 = arith.index_cast %add3A_889 : i32 to index
      %swap3A_895 = tpu.vector_load %arg5[%swap3A_894] {strides = array<i32>} : memref<2560xi32, #tpu.memory_space<vmem>>, vector<16xi32>,
      %swap3A_896 = vector.shape_cast %swap3A_895 : vector<16xi32> to vector<16xi32>
      %swap3A_897 = vector.shape_cast %add3A_893 : vector<16xi32> to vector<16xi32>
      tpu.vector_store %arg5[%swap3A_894], %swap3A_897 {strides = array<i32>} : memref<2560xi32, #tpu.memory_space<vmem>>, vector<16xi32>,
      %mul3A_898 = arith.constant 640 : i32
      %mul3A_899 = arith.muli %add3A_575, %mul3A_898 : i32
      %add3A_900 = arith.constant 432 : i32
      %add3A_901 = arith.addi %mul3A_899, %add3A_900 : i32
      %get3A_902 = arith.index_cast %add3A_901 : i32 to index
      %get3A_903 = tpu.vector_load %arg5[%get3A_902] {strides = array<i32>} : memref<2560xi32, #tpu.memory_space<vmem>>, vector<16xi32>,
      %get3A_904 = vector.shape_cast %get3A_903 : vector<16xi32> to vector<16xi32>
      %add3A_905 = arith.addi %get3A_904, %select_n3A_96 : vector<16xi32>
      %swap3A_906 = arith.index_cast %add3A_901 : i32 to index
      %swap3A_907 = tpu.vector_load %arg5[%swap3A_906] {strides = array<i32>} : memref<2560xi32, #tpu.memory_space<vmem>>, vector<16xi32>,
      %swap3A_908 = vector.shape_cast %swap3A_907 : vector<16xi32> to vector<16xi32>
      %swap3A_909 = vector.shape_cast %add3A_905 : vector<16xi32> to vector<16xi32>
      tpu.vector_store %arg5[%swap3A_906], %swap3A_909 {strides = array<i32>} : memref<2560xi32, #tpu.memory_space<vmem>>, vector<16xi32>,
      %mul3A_910 = arith.constant 640 : i32
      %mul3A_911 = arith.muli %add3A_575, %mul3A_910 : i32
      %add3A_912 = arith.constant 448 : i32
      %add3A_913 = arith.addi %mul3A_911, %add3A_912 : i32
      %get3A_914 = arith.index_cast %add3A_913 : i32 to index
      %get3A_915 = tpu.vector_load %arg5[%get3A_914] {strides = array<i32>} : memref<2560xi32, #tpu.memory_space<vmem>>, vector<16xi32>,
      %get3A_916 = vector.shape_cast %get3A_915 : vector<16xi32> to vector<16xi32>
      %add3A_917 = arith.addi %get3A_916, %select_n3A_128 : vector<16xi32>
      %swap3A_918 = arith.index_cast %add3A_913 : i32 to index
      %swap3A_919 = tpu.vector_load %arg5[%swap3A_918] {strides = array<i32>} : memref<2560xi32, #tpu.memory_space<vmem>>, vector<16xi32>,
      %swap3A_920 = vector.shape_cast %swap3A_919 : vector<16xi32> to vector<16xi32>
      %swap3A_921 = vector.shape_cast %add3A_917 : vector<16xi32> to vector<16xi32>
      tpu.vector_store %arg5[%swap3A_918], %swap3A_921 {strides = array<i32>} : memref<2560xi32, #tpu.memory_space<vmem>>, vector<16xi32>,
      %mul3A_922 = arith.constant 640 : i32
      %mul3A_923 = arith.muli %add3A_575, %mul3A_922 : i32
      %add3A_924 = arith.constant 464 : i32
      %add3A_925 = arith.addi %mul3A_923, %add3A_924 : i32
      %get3A_926 = arith.index_cast %add3A_925 : i32 to index
      %get3A_927 = tpu.vector_load %arg5[%get3A_926] {strides = array<i32>} : memref<2560xi32, #tpu.memory_space<vmem>>, vector<16xi32>,
      %get3A_928 = vector.shape_cast %get3A_927 : vector<16xi32> to vector<16xi32>
      %add3A_929 = arith.addi %get3A_928, %select_n3A_160 : vector<16xi32>
      %swap3A_930 = arith.index_cast %add3A_925 : i32 to index
      %swap3A_931 = tpu.vector_load %arg5[%swap3A_930] {strides = array<i32>} : memref<2560xi32, #tpu.memory_space<vmem>>, vector<16xi32>,
      %swap3A_932 = vector.shape_cast %swap3A_931 : vector<16xi32> to vector<16xi32>
      %swap3A_933 = vector.shape_cast %add3A_929 : vector<16xi32> to vector<16xi32>
      tpu.vector_store %arg5[%swap3A_930], %swap3A_933 {strides = array<i32>} : memref<2560xi32, #tpu.memory_space<vmem>>, vector<16xi32>,
      %mul3A_934 = arith.constant 640 : i32
      %mul3A_935 = arith.muli %add3A_575, %mul3A_934 : i32
      %add3A_936 = arith.constant 480 : i32
      %add3A_937 = arith.addi %mul3A_935, %add3A_936 : i32
      %get3A_938 = arith.index_cast %add3A_937 : i32 to index
      %get3A_939 = tpu.vector_load %arg5[%get3A_938] {strides = array<i32>} : memref<2560xi32, #tpu.memory_space<vmem>>, vector<16xi32>,
      %get3A_940 = vector.shape_cast %get3A_939 : vector<16xi32> to vector<16xi32>
      %add3A_941 = arith.addi %get3A_940, %select_n3A_32 : vector<16xi32>
      %swap3A_942 = arith.index_cast %add3A_937 : i32 to index
      %swap3A_943 = tpu.vector_load %arg5[%swap3A_942] {strides = array<i32>} : memref<2560xi32, #tpu.memory_space<vmem>>, vector<16xi32>,
      %swap3A_944 = vector.shape_cast %swap3A_943 : vector<16xi32> to vector<16xi32>
      %swap3A_945 = vector.shape_cast %add3A_941 : vector<16xi32> to vector<16xi32>
      tpu.vector_store %arg5[%swap3A_942], %swap3A_945 {strides = array<i32>} : memref<2560xi32, #tpu.memory_space<vmem>>, vector<16xi32>,
      %mul3A_946 = arith.constant 640 : i32
      %mul3A_947 = arith.muli %add3A_575, %mul3A_946 : i32
      %add3A_948 = arith.constant 496 : i32
      %add3A_949 = arith.addi %mul3A_947, %add3A_948 : i32
      %get3A_950 = arith.index_cast %add3A_949 : i32 to index
      %get3A_951 = tpu.vector_load %arg5[%get3A_950] {strides = array<i32>} : memref<2560xi32, #tpu.memory_space<vmem>>, vector<16xi32>,
      %get3A_952 = vector.shape_cast %get3A_951 : vector<16xi32> to vector<16xi32>
      %add3A_953 = arith.addi %get3A_952, %select_n3A_64 : vector<16xi32>
      %swap3A_954 = arith.index_cast %add3A_949 : i32 to index
      %swap3A_955 = tpu.vector_load %arg5[%swap3A_954] {strides = array<i32>} : memref<2560xi32, #tpu.memory_space<vmem>>, vector<16xi32>,
      %swap3A_956 = vector.shape_cast %swap3A_955 : vector<16xi32> to vector<16xi32>
      %swap3A_957 = vector.shape_cast %add3A_953 : vector<16xi32> to vector<16xi32>
      tpu.vector_store %arg5[%swap3A_954], %swap3A_957 {strides = array<i32>} : memref<2560xi32, #tpu.memory_space<vmem>>, vector<16xi32>,
      %mul3A_958 = arith.constant 640 : i32
      %mul3A_959 = arith.muli %add3A_575, %mul3A_958 : i32
      %add3A_960 = arith.constant 512 : i32
      %add3A_961 = arith.addi %mul3A_959, %add3A_960 : i32
      %get3A_962 = arith.index_cast %add3A_961 : i32 to index
      %get3A_963 = tpu.vector_load %arg5[%get3A_962] {strides = array<i32>} : memref<2560xi32, #tpu.memory_space<vmem>>, vector<16xi32>,
      %get3A_964 = vector.shape_cast %get3A_963 : vector<16xi32> to vector<16xi32>
      %add3A_965 = arith.addi %get3A_964, %select_n3A_96 : vector<16xi32>
      %swap3A_966 = arith.index_cast %add3A_961 : i32 to index
      %swap3A_967 = tpu.vector_load %arg5[%swap3A_966] {strides = array<i32>} : memref<2560xi32, #tpu.memory_space<vmem>>, vector<16xi32>,
      %swap3A_968 = vector.shape_cast %swap3A_967 : vector<16xi32> to vector<16xi32>
      %swap3A_969 = vector.shape_cast %add3A_965 : vector<16xi32> to vector<16xi32>
      tpu.vector_store %arg5[%swap3A_966], %swap3A_969 {strides = array<i32>} : memref<2560xi32, #tpu.memory_space<vmem>>, vector<16xi32>,
      %mul3A_970 = arith.constant 640 : i32
      %mul3A_971 = arith.muli %add3A_575, %mul3A_970 : i32
      %add3A_972 = arith.constant 528 : i32
      %add3A_973 = arith.addi %mul3A_971, %add3A_972 : i32
      %get3A_974 = arith.index_cast %add3A_973 : i32 to index
      %get3A_975 = tpu.vector_load %arg5[%get3A_974] {strides = array<i32>} : memref<2560xi32, #tpu.memory_space<vmem>>, vector<16xi32>,
      %get3A_976 = vector.shape_cast %get3A_975 : vector<16xi32> to vector<16xi32>
      %add3A_977 = arith.addi %get3A_976, %select_n3A_128 : vector<16xi32>
      %swap3A_978 = arith.index_cast %add3A_973 : i32 to index
      %swap3A_979 = tpu.vector_load %arg5[%swap3A_978] {strides = array<i32>} : memref<2560xi32, #tpu.memory_space<vmem>>, vector<16xi32>,
      %swap3A_980 = vector.shape_cast %swap3A_979 : vector<16xi32> to vector<16xi32>
      %swap3A_981 = vector.shape_cast %add3A_977 : vector<16xi32> to vector<16xi32>
      tpu.vector_store %arg5[%swap3A_978], %swap3A_981 {strides = array<i32>} : memref<2560xi32, #tpu.memory_space<vmem>>, vector<16xi32>,
      %mul3A_982 = arith.constant 640 : i32
      %mul3A_983 = arith.muli %add3A_575, %mul3A_982 : i32
      %add3A_984 = arith.constant 544 : i32
      %add3A_985 = arith.addi %mul3A_983, %add3A_984 : i32
      %get3A_986 = arith.index_cast %add3A_985 : i32 to index
      %get3A_987 = tpu.vector_load %arg5[%get3A_986] {strides = array<i32>} : memref<2560xi32, #tpu.memory_space<vmem>>, vector<16xi32>,
      %get3A_988 = vector.shape_cast %get3A_987 : vector<16xi32> to vector<16xi32>
      %add3A_989 = arith.addi %get3A_988, %select_n3A_160 : vector<16xi32>
      %swap3A_990 = arith.index_cast %add3A_985 : i32 to index
      %swap3A_991 = tpu.vector_load %arg5[%swap3A_990] {strides = array<i32>} : memref<2560xi32, #tpu.memory_space<vmem>>, vector<16xi32>,
      %swap3A_992 = vector.shape_cast %swap3A_991 : vector<16xi32> to vector<16xi32>
      %swap3A_993 = vector.shape_cast %add3A_989 : vector<16xi32> to vector<16xi32>
      tpu.vector_store %arg5[%swap3A_990], %swap3A_993 {strides = array<i32>} : memref<2560xi32, #tpu.memory_space<vmem>>, vector<16xi32>,
      %mul3A_994 = arith.constant 640 : i32
      %mul3A_995 = arith.muli %add3A_575, %mul3A_994 : i32
      %add3A_996 = arith.constant 560 : i32
      %add3A_997 = arith.addi %mul3A_995, %add3A_996 : i32
      %get3A_998 = arith.index_cast %add3A_997 : i32 to index
      %get3A_999 = tpu.vector_load %arg5[%get3A_998] {strides = array<i32>} : memref<2560xi32, #tpu.memory_space<vmem>>, vector<16xi32>,
      %get3A_1000 = vector.shape_cast %get3A_999 : vector<16xi32> to vector<16xi32>
      %add3A_1001 = arith.addi %get3A_1000, %select_n3A_32 : vector<16xi32>
      %swap3A_1002 = arith.index_cast %add3A_997 : i32 to index
      %swap3A_1003 = tpu.vector_load %arg5[%swap3A_1002] {strides = array<i32>} : memref<2560xi32, #tpu.memory_space<vmem>>, vector<16xi32>,
      %swap3A_1004 = vector.shape_cast %swap3A_1003 : vector<16xi32> to vector<16xi32>
      %swap3A_1005 = vector.shape_cast %add3A_1001 : vector<16xi32> to vector<16xi32>
      tpu.vector_store %arg5[%swap3A_1002], %swap3A_1005 {strides = array<i32>} : memref<2560xi32, #tpu.memory_space<vmem>>, vector<16xi32>,
      %mul3A_1006 = arith.constant 640 : i32
      %mul3A_1007 = arith.muli %add3A_575, %mul3A_1006 : i32
      %add3A_1008 = arith.constant 576 : i32
      %add3A_1009 = arith.addi %mul3A_1007, %add3A_1008 : i32
      %get3A_1010 = arith.index_cast %add3A_1009 : i32 to index
      %get3A_1011 = tpu.vector_load %arg5[%get3A_1010] {strides = array<i32>} : memref<2560xi32, #tpu.memory_space<vmem>>, vector<16xi32>,
      %get3A_1012 = vector.shape_cast %get3A_1011 : vector<16xi32> to vector<16xi32>
      %add3A_1013 = arith.addi %get3A_1012, %select_n3A_64 : vector<16xi32>
      %swap3A_1014 = arith.index_cast %add3A_1009 : i32 to index
      %swap3A_1015 = tpu.vector_load %arg5[%swap3A_1014] {strides = array<i32>} : memref<2560xi32, #tpu.memory_space<vmem>>, vector<16xi32>,
      %swap3A_1016 = vector.shape_cast %swap3A_1015 : vector<16xi32> to vector<16xi32>
      %swap3A_1017 = vector.shape_cast %add3A_1013 : vector<16xi32> to vector<16xi32>
      tpu.vector_store %arg5[%swap3A_1014], %swap3A_1017 {strides = array<i32>} : memref<2560xi32, #tpu.memory_space<vmem>>, vector<16xi32>,
      %mul3A_1018 = arith.constant 640 : i32
      %mul3A_1019 = arith.muli %add3A_575, %mul3A_1018 : i32
      %add3A_1020 = arith.constant 592 : i32
      %add3A_1021 = arith.addi %mul3A_1019, %add3A_1020 : i32
      %get3A_1022 = arith.index_cast %add3A_1021 : i32 to index
      %get3A_1023 = tpu.vector_load %arg5[%get3A_1022] {strides = array<i32>} : memref<2560xi32, #tpu.memory_space<vmem>>, vector<16xi32>,
      %get3A_1024 = vector.shape_cast %get3A_1023 : vector<16xi32> to vector<16xi32>
      %add3A_1025 = arith.addi %get3A_1024, %select_n3A_96 : vector<16xi32>
      %swap3A_1026 = arith.index_cast %add3A_1021 : i32 to index
      %swap3A_1027 = tpu.vector_load %arg5[%swap3A_1026] {strides = array<i32>} : memref<2560xi32, #tpu.memory_space<vmem>>, vector<16xi32>,
      %swap3A_1028 = vector.shape_cast %swap3A_1027 : vector<16xi32> to vector<16xi32>
      %swap3A_1029 = vector.shape_cast %add3A_1025 : vector<16xi32> to vector<16xi32>
      tpu.vector_store %arg5[%swap3A_1026], %swap3A_1029 {strides = array<i32>} : memref<2560xi32, #tpu.memory_space<vmem>>, vector<16xi32>,
      %mul3A_1030 = arith.constant 640 : i32
      %mul3A_1031 = arith.muli %add3A_575, %mul3A_1030 : i32
      %add3A_1032 = arith.constant 608 : i32
      %add3A_1033 = arith.addi %mul3A_1031, %add3A_1032 : i32
      %get3A_1034 = arith.index_cast %add3A_1033 : i32 to index
      %get3A_1035 = tpu.vector_load %arg5[%get3A_1034] {strides = array<i32>} : memref<2560xi32, #tpu.memory_space<vmem>>, vector<16xi32>,
      %get3A_1036 = vector.shape_cast %get3A_1035 : vector<16xi32> to vector<16xi32>
      %add3A_1037 = arith.addi %get3A_1036, %select_n3A_128 : vector<16xi32>
      %swap3A_1038 = arith.index_cast %add3A_1033 : i32 to index
      %swap3A_1039 = tpu.vector_load %arg5[%swap3A_1038] {strides = array<i32>} : memref<2560xi32, #tpu.memory_space<vmem>>, vector<16xi32>,
      %swap3A_1040 = vector.shape_cast %swap3A_1039 : vector<16xi32> to vector<16xi32>
      %swap3A_1041 = vector.shape_cast %add3A_1037 : vector<16xi32> to vector<16xi32>
      tpu.vector_store %arg5[%swap3A_1038], %swap3A_1041 {strides = array<i32>} : memref<2560xi32, #tpu.memory_space<vmem>>, vector<16xi32>,
      %mul3A_1042 = arith.constant 640 : i32
      %mul3A_1043 = arith.muli %add3A_575, %mul3A_1042 : i32
      %add3A_1044 = arith.constant 624 : i32
      %add3A_1045 = arith.addi %mul3A_1043, %add3A_1044 : i32
      %get3A_1046 = arith.index_cast %add3A_1045 : i32 to index
      %get3A_1047 = tpu.vector_load %arg5[%get3A_1046] {strides = array<i32>} : memref<2560xi32, #tpu.memory_space<vmem>>, vector<16xi32>,
      %get3A_1048 = vector.shape_cast %get3A_1047 : vector<16xi32> to vector<16xi32>
      %add3A_1049 = arith.addi %get3A_1048, %select_n3A_160 : vector<16xi32>
      %swap3A_1050 = arith.index_cast %add3A_1045 : i32 to index
      %swap3A_1051 = tpu.vector_load %arg5[%swap3A_1050] {strides = array<i32>} : memref<2560xi32, #tpu.memory_space<vmem>>, vector<16xi32>,
      %swap3A_1052 = vector.shape_cast %swap3A_1051 : vector<16xi32> to vector<16xi32>
      %swap3A_1053 = vector.shape_cast %add3A_1049 : vector<16xi32> to vector<16xi32>
      tpu.vector_store %arg5[%swap3A_1050], %swap3A_1053 {strides = array<i32>} : memref<2560xi32, #tpu.memory_space<vmem>>, vector<16xi32>,
    }
    %scan3A_164 = arith.constant 4 : i32
    %barrier3A = arith.constant 0 : index
    tpu.barrier barrier_id(%barrier3A)
    %dma_start3A = arith.constant 0 : i32
    %dma_start3A_165 = arith.constant 0 : i32
    %dma_start3A_166 = tpu.memref_slice %arg6[%dma_start3A, %dma_start3A_165] : memref<2560x32xf32, #tpu.memory_space<vmem>> -> memref<128x32xf32, #tpu.memory_space<vmem>>
    %dma_start3A_167 = arith.constant 0 : i32
    %dma_start3A_168 = tpu.memref_slice %arg5[%dma_start3A_167] : memref<2560xi32, #tpu.memory_space<vmem>> -> memref<128xi32, #tpu.memory_space<vmem>>
    %dma_start3A_169 = arith.constant 0 : i32
    %dma_start3A_170 = arith.constant 0 : i32
    %dma_start3A_171 = tpu.memref_slice %arg7[%dma_start3A_169, %dma_start3A_170] : memref<84x32xf32, #tpu.memory_space<vmem_shared>> -> memref<84x32xf32, #tpu.memory_space<vmem_shared>>
    tpu.enqueue_indirect_dma source(%dma_start3A_171 : memref<84x32xf32, #tpu.memory_space<vmem_shared>>) target(%dma_start3A_166 : memref<128x32xf32, #tpu.memory_space<vmem>>) offsets(%dma_start3A_168 : memref<128xi32, #tpu.memory_space<vmem>>) semaphore(%arg8 : memref<!tpu.dma_semaphore, #tpu.memory_space<semaphore_mem>>)
    %dma_start3A_172 = arith.constant 128 : i32
    %dma_start3A_173 = arith.constant 0 : i32
    %dma_start3A_174 = tpu.memref_slice %arg6[%dma_start3A_172, %dma_start3A_173] : memref<2560x32xf32, #tpu.memory_space<vmem>> -> memref<128x32xf32, #tpu.memory_space<vmem>>
    %dma_start3A_175 = arith.constant 128 : i32
    %dma_start3A_176 = tpu.memref_slice %arg5[%dma_start3A_175] : memref<2560xi32, #tpu.memory_space<vmem>> -> memref<128xi32, #tpu.memory_space<vmem>>
    %dma_start3A_177 = arith.constant 0 : i32
    %dma_start3A_178 = arith.constant 0 : i32
    %dma_start3A_179 = tpu.memref_slice %arg7[%dma_start3A_177, %dma_start3A_178] : memref<84x32xf32, #tpu.memory_space<vmem_shared>> -> memref<84x32xf32, #tpu.memory_space<vmem_shared>>
    tpu.enqueue_indirect_dma source(%dma_start3A_179 : memref<84x32xf32, #tpu.memory_space<vmem_shared>>) target(%dma_start3A_174 : memref<128x32xf32, #tpu.memory_space<vmem>>) offsets(%dma_start3A_176 : memref<128xi32, #tpu.memory_space<vmem>>) semaphore(%arg8 : memref<!tpu.dma_semaphore, #tpu.memory_space<semaphore_mem>>)
    %dma_start3A_180 = arith.constant 256 : i32
    %dma_start3A_181 = arith.constant 0 : i32
    %dma_start3A_182 = tpu.memref_slice %arg6[%dma_start3A_180, %dma_start3A_181] : memref<2560x32xf32, #tpu.memory_space<vmem>> -> memref<128x32xf32, #tpu.memory_space<vmem>>
    %dma_start3A_183 = arith.constant 256 : i32
    %dma_start3A_184 = tpu.memref_slice %arg5[%dma_start3A_183] : memref<2560xi32, #tpu.memory_space<vmem>> -> memref<128xi32, #tpu.memory_space<vmem>>
    %dma_start3A_185 = arith.constant 0 : i32
    %dma_start3A_186 = arith.constant 0 : i32
    %dma_start3A_187 = tpu.memref_slice %arg7[%dma_start3A_185, %dma_start3A_186] : memref<84x32xf32, #tpu.memory_space<vmem_shared>> -> memref<84x32xf32, #tpu.memory_space<vmem_shared>>
    tpu.enqueue_indirect_dma source(%dma_start3A_187 : memref<84x32xf32, #tpu.memory_space<vmem_shared>>) target(%dma_start3A_182 : memref<128x32xf32, #tpu.memory_space<vmem>>) offsets(%dma_start3A_184 : memref<128xi32, #tpu.memory_space<vmem>>) semaphore(%arg8 : memref<!tpu.dma_semaphore, #tpu.memory_space<semaphore_mem>>)
    %dma_start3A_188 = arith.constant 384 : i32
    %dma_start3A_189 = arith.constant 0 : i32
    %dma_start3A_190 = tpu.memref_slice %arg6[%dma_start3A_188, %dma_start3A_189] : memref<2560x32xf32, #tpu.memory_space<vmem>> -> memref<128x32xf32, #tpu.memory_space<vmem>>
    %dma_start3A_191 = arith.constant 384 : i32
    %dma_start3A_192 = tpu.memref_slice %arg5[%dma_start3A_191] : memref<2560xi32, #tpu.memory_space<vmem>> -> memref<128xi32, #tpu.memory_space<vmem>>
    %dma_start3A_193 = arith.constant 0 : i32
    %dma_start3A_194 = arith.constant 0 : i32
    %dma_start3A_195 = tpu.memref_slice %arg7[%dma_start3A_193, %dma_start3A_194] : memref<84x32xf32, #tpu.memory_space<vmem_shared>> -> memref<84x32xf32, #tpu.memory_space<vmem_shared>>
    tpu.enqueue_indirect_dma source(%dma_start3A_195 : memref<84x32xf32, #tpu.memory_space<vmem_shared>>) target(%dma_start3A_190 : memref<128x32xf32, #tpu.memory_space<vmem>>) offsets(%dma_start3A_192 : memref<128xi32, #tpu.memory_space<vmem>>) semaphore(%arg8 : memref<!tpu.dma_semaphore, #tpu.memory_space<semaphore_mem>>)
    %dma_start3A_196 = arith.constant 512 : i32
    %dma_start3A_197 = arith.constant 0 : i32
    %dma_start3A_198 = tpu.memref_slice %arg6[%dma_start3A_196, %dma_start3A_197] : memref<2560x32xf32, #tpu.memory_space<vmem>> -> memref<128x32xf32, #tpu.memory_space<vmem>>
    %dma_start3A_199 = arith.constant 512 : i32
    %dma_start3A_200 = tpu.memref_slice %arg5[%dma_start3A_199] : memref<2560xi32, #tpu.memory_space<vmem>> -> memref<128xi32, #tpu.memory_space<vmem>>
    %dma_start3A_201 = arith.constant 0 : i32
    %dma_start3A_202 = arith.constant 0 : i32
    %dma_start3A_203 = tpu.memref_slice %arg7[%dma_start3A_201, %dma_start3A_202] : memref<84x32xf32, #tpu.memory_space<vmem_shared>> -> memref<84x32xf32, #tpu.memory_space<vmem_shared>>
    tpu.enqueue_indirect_dma source(%dma_start3A_203 : memref<84x32xf32, #tpu.memory_space<vmem_shared>>) target(%dma_start3A_198 : memref<128x32xf32, #tpu.memory_space<vmem>>) offsets(%dma_start3A_200 : memref<128xi32, #tpu.memory_space<vmem>>) semaphore(%arg8 : memref<!tpu.dma_semaphore, #tpu.memory_space<semaphore_mem>>)
    %dma_start3A_204 = arith.constant 640 : i32
    %dma_start3A_205 = arith.constant 0 : i32
    %dma_start3A_206 = tpu.memref_slice %arg6[%dma_start3A_204, %dma_start3A_205] : memref<2560x32xf32, #tpu.memory_space<vmem>> -> memref<128x32xf32, #tpu.memory_space<vmem>>
    %dma_start3A_207 = arith.constant 640 : i32
    %dma_start3A_208 = tpu.memref_slice %arg5[%dma_start3A_207] : memref<2560xi32, #tpu.memory_space<vmem>> -> memref<128xi32, #tpu.memory_space<vmem>>
    %dma_start3A_209 = arith.constant 0 : i32
    %dma_start3A_210 = arith.constant 0 : i32
    %dma_start3A_211 = tpu.memref_slice %arg7[%dma_start3A_209, %dma_start3A_210] : memref<84x32xf32, #tpu.memory_space<vmem_shared>> -> memref<84x32xf32, #tpu.memory_space<vmem_shared>>
    tpu.enqueue_indirect_dma source(%dma_start3A_211 : memref<84x32xf32, #tpu.memory_space<vmem_shared>>) target(%dma_start3A_206 : memref<128x32xf32, #tpu.memory_space<vmem>>) offsets(%dma_start3A_208 : memref<128xi32, #tpu.memory_space<vmem>>) semaphore(%arg8 : memref<!tpu.dma_semaphore, #tpu.memory_space<semaphore_mem>>)
    %dma_start3A_212 = arith.constant 768 : i32
    %dma_start3A_213 = arith.constant 0 : i32
    %dma_start3A_214 = tpu.memref_slice %arg6[%dma_start3A_212, %dma_start3A_213] : memref<2560x32xf32, #tpu.memory_space<vmem>> -> memref<128x32xf32, #tpu.memory_space<vmem>>
    %dma_start3A_215 = arith.constant 768 : i32
    %dma_start3A_216 = tpu.memref_slice %arg5[%dma_start3A_215] : memref<2560xi32, #tpu.memory_space<vmem>> -> memref<128xi32, #tpu.memory_space<vmem>>
    %dma_start3A_217 = arith.constant 0 : i32
    %dma_start3A_218 = arith.constant 0 : i32
    %dma_start3A_219 = tpu.memref_slice %arg7[%dma_start3A_217, %dma_start3A_218] : memref<84x32xf32, #tpu.memory_space<vmem_shared>> -> memref<84x32xf32, #tpu.memory_space<vmem_shared>>
    tpu.enqueue_indirect_dma source(%dma_start3A_219 : memref<84x32xf32, #tpu.memory_space<vmem_shared>>) target(%dma_start3A_214 : memref<128x32xf32, #tpu.memory_space<vmem>>) offsets(%dma_start3A_216 : memref<128xi32, #tpu.memory_space<vmem>>) semaphore(%arg8 : memref<!tpu.dma_semaphore, #tpu.memory_space<semaphore_mem>>)
    %dma_start3A_220 = arith.constant 896 : i32
    %dma_start3A_221 = arith.constant 0 : i32
    %dma_start3A_222 = tpu.memref_slice %arg6[%dma_start3A_220, %dma_start3A_221] : memref<2560x32xf32, #tpu.memory_space<vmem>> -> memref<128x32xf32, #tpu.memory_space<vmem>>
    %dma_start3A_223 = arith.constant 896 : i32
    %dma_start3A_224 = tpu.memref_slice %arg5[%dma_start3A_223] : memref<2560xi32, #tpu.memory_space<vmem>> -> memref<128xi32, #tpu.memory_space<vmem>>
    %dma_start3A_225 = arith.constant 0 : i32
    %dma_start3A_226 = arith.constant 0 : i32
    %dma_start3A_227 = tpu.memref_slice %arg7[%dma_start3A_225, %dma_start3A_226] : memref<84x32xf32, #tpu.memory_space<vmem_shared>> -> memref<84x32xf32, #tpu.memory_space<vmem_shared>>
    tpu.enqueue_indirect_dma source(%dma_start3A_227 : memref<84x32xf32, #tpu.memory_space<vmem_shared>>) target(%dma_start3A_222 : memref<128x32xf32, #tpu.memory_space<vmem>>) offsets(%dma_start3A_224 : memref<128xi32, #tpu.memory_space<vmem>>) semaphore(%arg8 : memref<!tpu.dma_semaphore, #tpu.memory_space<semaphore_mem>>)
    %dma_start3A_228 = arith.constant 1024 : i32
    %dma_start3A_229 = arith.constant 0 : i32
    %dma_start3A_230 = tpu.memref_slice %arg6[%dma_start3A_228, %dma_start3A_229] : memref<2560x32xf32, #tpu.memory_space<vmem>> -> memref<128x32xf32, #tpu.memory_space<vmem>>
    %dma_start3A_231 = arith.constant 1024 : i32
    %dma_start3A_232 = tpu.memref_slice %arg5[%dma_start3A_231] : memref<2560xi32, #tpu.memory_space<vmem>> -> memref<128xi32, #tpu.memory_space<vmem>>
    %dma_start3A_233 = arith.constant 0 : i32
    %dma_start3A_234 = arith.constant 0 : i32
    %dma_start3A_235 = tpu.memref_slice %arg7[%dma_start3A_233, %dma_start3A_234] : memref<84x32xf32, #tpu.memory_space<vmem_shared>> -> memref<84x32xf32, #tpu.memory_space<vmem_shared>>
    tpu.enqueue_indirect_dma source(%dma_start3A_235 : memref<84x32xf32, #tpu.memory_space<vmem_shared>>) target(%dma_start3A_230 : memref<128x32xf32, #tpu.memory_space<vmem>>) offsets(%dma_start3A_232 : memref<128xi32, #tpu.memory_space<vmem>>) semaphore(%arg8 : memref<!tpu.dma_semaphore, #tpu.memory_space<semaphore_mem>>)
    %dma_start3A_236 = arith.constant 1152 : i32
    %dma_start3A_237 = arith.constant 0 : i32
    %dma_start3A_238 = tpu.memref_slice %arg6[%dma_start3A_236, %dma_start3A_237] : memref<2560x32xf32, #tpu.memory_space<vmem>> -> memref<128x32xf32, #tpu.memory_space<vmem>>
    %dma_start3A_239 = arith.constant 1152 : i32
    %dma_start3A_240 = tpu.memref_slice %arg5[%dma_start3A_239] : memref<2560xi32, #tpu.memory_space<vmem>> -> memref<128xi32, #tpu.memory_space<vmem>>
    %dma_start3A_241 = arith.constant 0 : i32
    %dma_start3A_242 = arith.constant 0 : i32
    %dma_start3A_243 = tpu.memref_slice %arg7[%dma_start3A_241, %dma_start3A_242] : memref<84x32xf32, #tpu.memory_space<vmem_shared>> -> memref<84x32xf32, #tpu.memory_space<vmem_shared>>
    tpu.enqueue_indirect_dma source(%dma_start3A_243 : memref<84x32xf32, #tpu.memory_space<vmem_shared>>) target(%dma_start3A_238 : memref<128x32xf32, #tpu.memory_space<vmem>>) offsets(%dma_start3A_240 : memref<128xi32, #tpu.memory_space<vmem>>) semaphore(%arg8 : memref<!tpu.dma_semaphore, #tpu.memory_space<semaphore_mem>>)
    %dma_start3A_244 = arith.constant 1280 : i32
    %dma_start3A_245 = arith.constant 0 : i32
    %dma_start3A_246 = tpu.memref_slice %arg6[%dma_start3A_244, %dma_start3A_245] : memref<2560x32xf32, #tpu.memory_space<vmem>> -> memref<128x32xf32, #tpu.memory_space<vmem>>
    %dma_start3A_247 = arith.constant 1280 : i32
    %dma_start3A_248 = tpu.memref_slice %arg5[%dma_start3A_247] : memref<2560xi32, #tpu.memory_space<vmem>> -> memref<128xi32, #tpu.memory_space<vmem>>
    %dma_start3A_249 = arith.constant 0 : i32
    %dma_start3A_250 = arith.constant 0 : i32
    %dma_start3A_251 = tpu.memref_slice %arg7[%dma_start3A_249, %dma_start3A_250] : memref<84x32xf32, #tpu.memory_space<vmem_shared>> -> memref<84x32xf32, #tpu.memory_space<vmem_shared>>
    tpu.enqueue_indirect_dma source(%dma_start3A_251 : memref<84x32xf32, #tpu.memory_space<vmem_shared>>) target(%dma_start3A_246 : memref<128x32xf32, #tpu.memory_space<vmem>>) offsets(%dma_start3A_248 : memref<128xi32, #tpu.memory_space<vmem>>) semaphore(%arg8 : memref<!tpu.dma_semaphore, #tpu.memory_space<semaphore_mem>>)
    %dma_start3A_252 = arith.constant 1408 : i32
    %dma_start3A_253 = arith.constant 0 : i32
    %dma_start3A_254 = tpu.memref_slice %arg6[%dma_start3A_252, %dma_start3A_253] : memref<2560x32xf32, #tpu.memory_space<vmem>> -> memref<128x32xf32, #tpu.memory_space<vmem>>
    %dma_start3A_255 = arith.constant 1408 : i32
    %dma_start3A_256 = tpu.memref_slice %arg5[%dma_start3A_255] : memref<2560xi32, #tpu.memory_space<vmem>> -> memref<128xi32, #tpu.memory_space<vmem>>
    %dma_start3A_257 = arith.constant 0 : i32
    %dma_start3A_258 = arith.constant 0 : i32
    %dma_start3A_259 = tpu.memref_slice %arg7[%dma_start3A_257, %dma_start3A_258] : memref<84x32xf32, #tpu.memory_space<vmem_shared>> -> memref<84x32xf32, #tpu.memory_space<vmem_shared>>
    tpu.enqueue_indirect_dma source(%dma_start3A_259 : memref<84x32xf32, #tpu.memory_space<vmem_shared>>) target(%dma_start3A_254 : memref<128x32xf32, #tpu.memory_space<vmem>>) offsets(%dma_start3A_256 : memref<128xi32, #tpu.memory_space<vmem>>) semaphore(%arg8 : memref<!tpu.dma_semaphore, #tpu.memory_space<semaphore_mem>>)
    %dma_start3A_260 = arith.constant 1536 : i32
    %dma_start3A_261 = arith.constant 0 : i32
    %dma_start3A_262 = tpu.memref_slice %arg6[%dma_start3A_260, %dma_start3A_261] : memref<2560x32xf32, #tpu.memory_space<vmem>> -> memref<128x32xf32, #tpu.memory_space<vmem>>
    %dma_start3A_263 = arith.constant 1536 : i32
    %dma_start3A_264 = tpu.memref_slice %arg5[%dma_start3A_263] : memref<2560xi32, #tpu.memory_space<vmem>> -> memref<128xi32, #tpu.memory_space<vmem>>
    %dma_start3A_265 = arith.constant 0 : i32
    %dma_start3A_266 = arith.constant 0 : i32
    %dma_start3A_267 = tpu.memref_slice %arg7[%dma_start3A_265, %dma_start3A_266] : memref<84x32xf32, #tpu.memory_space<vmem_shared>> -> memref<84x32xf32, #tpu.memory_space<vmem_shared>>
    tpu.enqueue_indirect_dma source(%dma_start3A_267 : memref<84x32xf32, #tpu.memory_space<vmem_shared>>) target(%dma_start3A_262 : memref<128x32xf32, #tpu.memory_space<vmem>>) offsets(%dma_start3A_264 : memref<128xi32, #tpu.memory_space<vmem>>) semaphore(%arg8 : memref<!tpu.dma_semaphore, #tpu.memory_space<semaphore_mem>>)
    %dma_start3A_268 = arith.constant 1664 : i32
    %dma_start3A_269 = arith.constant 0 : i32
    %dma_start3A_270 = tpu.memref_slice %arg6[%dma_start3A_268, %dma_start3A_269] : memref<2560x32xf32, #tpu.memory_space<vmem>> -> memref<128x32xf32, #tpu.memory_space<vmem>>
    %dma_start3A_271 = arith.constant 1664 : i32
    %dma_start3A_272 = tpu.memref_slice %arg5[%dma_start3A_271] : memref<2560xi32, #tpu.memory_space<vmem>> -> memref<128xi32, #tpu.memory_space<vmem>>
    %dma_start3A_273 = arith.constant 0 : i32
    %dma_start3A_274 = arith.constant 0 : i32
    %dma_start3A_275 = tpu.memref_slice %arg7[%dma_start3A_273, %dma_start3A_274] : memref<84x32xf32, #tpu.memory_space<vmem_shared>> -> memref<84x32xf32, #tpu.memory_space<vmem_shared>>
    tpu.enqueue_indirect_dma source(%dma_start3A_275 : memref<84x32xf32, #tpu.memory_space<vmem_shared>>) target(%dma_start3A_270 : memref<128x32xf32, #tpu.memory_space<vmem>>) offsets(%dma_start3A_272 : memref<128xi32, #tpu.memory_space<vmem>>) semaphore(%arg8 : memref<!tpu.dma_semaphore, #tpu.memory_space<semaphore_mem>>)
    %dma_start3A_276 = arith.constant 1792 : i32
    %dma_start3A_277 = arith.constant 0 : i32
    %dma_start3A_278 = tpu.memref_slice %arg6[%dma_start3A_276, %dma_start3A_277] : memref<2560x32xf32, #tpu.memory_space<vmem>> -> memref<128x32xf32, #tpu.memory_space<vmem>>
    %dma_start3A_279 = arith.constant 1792 : i32
    %dma_start3A_280 = tpu.memref_slice %arg5[%dma_start3A_279] : memref<2560xi32, #tpu.memory_space<vmem>> -> memref<128xi32, #tpu.memory_space<vmem>>
    %dma_start3A_281 = arith.constant 0 : i32
    %dma_start3A_282 = arith.constant 0 : i32
    %dma_start3A_283 = tpu.memref_slice %arg7[%dma_start3A_281, %dma_start3A_282] : memref<84x32xf32, #tpu.memory_space<vmem_shared>> -> memref<84x32xf32, #tpu.memory_space<vmem_shared>>
    tpu.enqueue_indirect_dma source(%dma_start3A_283 : memref<84x32xf32, #tpu.memory_space<vmem_shared>>) target(%dma_start3A_278 : memref<128x32xf32, #tpu.memory_space<vmem>>) offsets(%dma_start3A_280 : memref<128xi32, #tpu.memory_space<vmem>>) semaphore(%arg8 : memref<!tpu.dma_semaphore, #tpu.memory_space<semaphore_mem>>)
    %dma_start3A_284 = arith.constant 1920 : i32
    %dma_start3A_285 = arith.constant 0 : i32
    %dma_start3A_286 = tpu.memref_slice %arg6[%dma_start3A_284, %dma_start3A_285] : memref<2560x32xf32, #tpu.memory_space<vmem>> -> memref<128x32xf32, #tpu.memory_space<vmem>>
    %dma_start3A_287 = arith.constant 1920 : i32
    %dma_start3A_288 = tpu.memref_slice %arg5[%dma_start3A_287] : memref<2560xi32, #tpu.memory_space<vmem>> -> memref<128xi32, #tpu.memory_space<vmem>>
    %dma_start3A_289 = arith.constant 0 : i32
    %dma_start3A_290 = arith.constant 0 : i32
    %dma_start3A_291 = tpu.memref_slice %arg7[%dma_start3A_289, %dma_start3A_290] : memref<84x32xf32, #tpu.memory_space<vmem_shared>> -> memref<84x32xf32, #tpu.memory_space<vmem_shared>>
    tpu.enqueue_indirect_dma source(%dma_start3A_291 : memref<84x32xf32, #tpu.memory_space<vmem_shared>>) target(%dma_start3A_286 : memref<128x32xf32, #tpu.memory_space<vmem>>) offsets(%dma_start3A_288 : memref<128xi32, #tpu.memory_space<vmem>>) semaphore(%arg8 : memref<!tpu.dma_semaphore, #tpu.memory_space<semaphore_mem>>)
    %dma_start3A_292 = arith.constant 2048 : i32
    %dma_start3A_293 = arith.constant 0 : i32
    %dma_start3A_294 = tpu.memref_slice %arg6[%dma_start3A_292, %dma_start3A_293] : memref<2560x32xf32, #tpu.memory_space<vmem>> -> memref<128x32xf32, #tpu.memory_space<vmem>>
    %dma_start3A_295 = arith.constant 2048 : i32
    %dma_start3A_296 = tpu.memref_slice %arg5[%dma_start3A_295] : memref<2560xi32, #tpu.memory_space<vmem>> -> memref<128xi32, #tpu.memory_space<vmem>>
    %dma_start3A_297 = arith.constant 0 : i32
    %dma_start3A_298 = arith.constant 0 : i32
    %dma_start3A_299 = tpu.memref_slice %arg7[%dma_start3A_297, %dma_start3A_298] : memref<84x32xf32, #tpu.memory_space<vmem_shared>> -> memref<84x32xf32, #tpu.memory_space<vmem_shared>>
    tpu.enqueue_indirect_dma source(%dma_start3A_299 : memref<84x32xf32, #tpu.memory_space<vmem_shared>>) target(%dma_start3A_294 : memref<128x32xf32, #tpu.memory_space<vmem>>) offsets(%dma_start3A_296 : memref<128xi32, #tpu.memory_space<vmem>>) semaphore(%arg8 : memref<!tpu.dma_semaphore, #tpu.memory_space<semaphore_mem>>)
    %dma_start3A_300 = arith.constant 2176 : i32
    %dma_start3A_301 = arith.constant 0 : i32
    %dma_start3A_302 = tpu.memref_slice %arg6[%dma_start3A_300, %dma_start3A_301] : memref<2560x32xf32, #tpu.memory_space<vmem>> -> memref<128x32xf32, #tpu.memory_space<vmem>>
    %dma_start3A_303 = arith.constant 2176 : i32
    %dma_start3A_304 = tpu.memref_slice %arg5[%dma_start3A_303] : memref<2560xi32, #tpu.memory_space<vmem>> -> memref<128xi32, #tpu.memory_space<vmem>>
    %dma_start3A_305 = arith.constant 0 : i32
    %dma_start3A_306 = arith.constant 0 : i32
    %dma_start3A_307 = tpu.memref_slice %arg7[%dma_start3A_305, %dma_start3A_306] : memref<84x32xf32, #tpu.memory_space<vmem_shared>> -> memref<84x32xf32, #tpu.memory_space<vmem_shared>>
    tpu.enqueue_indirect_dma source(%dma_start3A_307 : memref<84x32xf32, #tpu.memory_space<vmem_shared>>) target(%dma_start3A_302 : memref<128x32xf32, #tpu.memory_space<vmem>>) offsets(%dma_start3A_304 : memref<128xi32, #tpu.memory_space<vmem>>) semaphore(%arg8 : memref<!tpu.dma_semaphore, #tpu.memory_space<semaphore_mem>>)
    %dma_start3A_308 = arith.constant 2304 : i32
    %dma_start3A_309 = arith.constant 0 : i32
    %dma_start3A_310 = tpu.memref_slice %arg6[%dma_start3A_308, %dma_start3A_309] : memref<2560x32xf32, #tpu.memory_space<vmem>> -> memref<128x32xf32, #tpu.memory_space<vmem>>
    %dma_start3A_311 = arith.constant 2304 : i32
    %dma_start3A_312 = tpu.memref_slice %arg5[%dma_start3A_311] : memref<2560xi32, #tpu.memory_space<vmem>> -> memref<128xi32, #tpu.memory_space<vmem>>
    %dma_start3A_313 = arith.constant 0 : i32
    %dma_start3A_314 = arith.constant 0 : i32
    %dma_start3A_315 = tpu.memref_slice %arg7[%dma_start3A_313, %dma_start3A_314] : memref<84x32xf32, #tpu.memory_space<vmem_shared>> -> memref<84x32xf32, #tpu.memory_space<vmem_shared>>
    tpu.enqueue_indirect_dma source(%dma_start3A_315 : memref<84x32xf32, #tpu.memory_space<vmem_shared>>) target(%dma_start3A_310 : memref<128x32xf32, #tpu.memory_space<vmem>>) offsets(%dma_start3A_312 : memref<128xi32, #tpu.memory_space<vmem>>) semaphore(%arg8 : memref<!tpu.dma_semaphore, #tpu.memory_space<semaphore_mem>>)
    %dma_start3A_316 = arith.constant 2432 : i32
    %dma_start3A_317 = arith.constant 0 : i32
    %dma_start3A_318 = tpu.memref_slice %arg6[%dma_start3A_316, %dma_start3A_317] : memref<2560x32xf32, #tpu.memory_space<vmem>> -> memref<128x32xf32, #tpu.memory_space<vmem>>
    %dma_start3A_319 = arith.constant 2432 : i32
    %dma_start3A_320 = tpu.memref_slice %arg5[%dma_start3A_319] : memref<2560xi32, #tpu.memory_space<vmem>> -> memref<128xi32, #tpu.memory_space<vmem>>
    %dma_start3A_321 = arith.constant 0 : i32
    %dma_start3A_322 = arith.constant 0 : i32
    %dma_start3A_323 = tpu.memref_slice %arg7[%dma_start3A_321, %dma_start3A_322] : memref<84x32xf32, #tpu.memory_space<vmem_shared>> -> memref<84x32xf32, #tpu.memory_space<vmem_shared>>
    tpu.enqueue_indirect_dma source(%dma_start3A_323 : memref<84x32xf32, #tpu.memory_space<vmem_shared>>) target(%dma_start3A_318 : memref<128x32xf32, #tpu.memory_space<vmem>>) offsets(%dma_start3A_320 : memref<128xi32, #tpu.memory_space<vmem>>) semaphore(%arg8 : memref<!tpu.dma_semaphore, #tpu.memory_space<semaphore_mem>>)
    %dma_wait3A = arith.constant 0 : i32
    %dma_wait3A_324 = arith.constant 0 : i32
    %dma_wait3A_325 = tpu.memref_slice %arg6[%dma_wait3A, %dma_wait3A_324] : memref<2560x32xf32, #tpu.memory_space<vmem>> -> memref<128x32xf32, #tpu.memory_space<vmem>>
    %dma_wait3A_326 = arith.constant 0 : i32
    %dma_wait3A_327 = tpu.memref_slice %arg5[%dma_wait3A_326] : memref<2560xi32, #tpu.memory_space<vmem>> -> memref<128xi32, #tpu.memory_space<vmem>>
    %dma_wait3A_328 = arith.constant 0 : i32
    %dma_wait3A_329 = arith.constant 0 : i32
    %dma_wait3A_330 = tpu.memref_slice %arg7[%dma_wait3A_328, %dma_wait3A_329] : memref<84x32xf32, #tpu.memory_space<vmem_shared>> -> memref<84x32xf32, #tpu.memory_space<vmem_shared>>
    tpu.wait_indirect_dma semaphore(%arg8 : memref<!tpu.dma_semaphore, #tpu.memory_space<semaphore_mem>>) src(%dma_wait3A_330 : memref<84x32xf32, #tpu.memory_space<vmem_shared>>) dst(%dma_wait3A_325 : memref<128x32xf32, #tpu.memory_space<vmem>>)
    %dma_wait3A_331 = arith.constant 128 : i32
    %dma_wait3A_332 = arith.constant 0 : i32
    %dma_wait3A_333 = tpu.memref_slice %arg6[%dma_wait3A_331, %dma_wait3A_332] : memref<2560x32xf32, #tpu.memory_space<vmem>> -> memref<128x32xf32, #tpu.memory_space<vmem>>
    %dma_wait3A_334 = arith.constant 128 : i32
    %dma_wait3A_335 = tpu.memref_slice %arg5[%dma_wait3A_334] : memref<2560xi32, #tpu.memory_space<vmem>> -> memref<128xi32, #tpu.memory_space<vmem>>
    %dma_wait3A_336 = arith.constant 0 : i32
    %dma_wait3A_337 = arith.constant 0 : i32
    %dma_wait3A_338 = tpu.memref_slice %arg7[%dma_wait3A_336, %dma_wait3A_337] : memref<84x32xf32, #tpu.memory_space<vmem_shared>> -> memref<84x32xf32, #tpu.memory_space<vmem_shared>>
    tpu.wait_indirect_dma semaphore(%arg8 : memref<!tpu.dma_semaphore, #tpu.memory_space<semaphore_mem>>) src(%dma_wait3A_338 : memref<84x32xf32, #tpu.memory_space<vmem_shared>>) dst(%dma_wait3A_333 : memref<128x32xf32, #tpu.memory_space<vmem>>)
    %dma_wait3A_339 = arith.constant 256 : i32
    %dma_wait3A_340 = arith.constant 0 : i32
    %dma_wait3A_341 = tpu.memref_slice %arg6[%dma_wait3A_339, %dma_wait3A_340] : memref<2560x32xf32, #tpu.memory_space<vmem>> -> memref<128x32xf32, #tpu.memory_space<vmem>>
    %dma_wait3A_342 = arith.constant 256 : i32
    %dma_wait3A_343 = tpu.memref_slice %arg5[%dma_wait3A_342] : memref<2560xi32, #tpu.memory_space<vmem>> -> memref<128xi32, #tpu.memory_space<vmem>>
    %dma_wait3A_344 = arith.constant 0 : i32
    %dma_wait3A_345 = arith.constant 0 : i32
    %dma_wait3A_346 = tpu.memref_slice %arg7[%dma_wait3A_344, %dma_wait3A_345] : memref<84x32xf32, #tpu.memory_space<vmem_shared>> -> memref<84x32xf32, #tpu.memory_space<vmem_shared>>
    tpu.wait_indirect_dma semaphore(%arg8 : memref<!tpu.dma_semaphore, #tpu.memory_space<semaphore_mem>>) src(%dma_wait3A_346 : memref<84x32xf32, #tpu.memory_space<vmem_shared>>) dst(%dma_wait3A_341 : memref<128x32xf32, #tpu.memory_space<vmem>>)
    %dma_wait3A_347 = arith.constant 384 : i32
    %dma_wait3A_348 = arith.constant 0 : i32
    %dma_wait3A_349 = tpu.memref_slice %arg6[%dma_wait3A_347, %dma_wait3A_348] : memref<2560x32xf32, #tpu.memory_space<vmem>> -> memref<128x32xf32, #tpu.memory_space<vmem>>
    %dma_wait3A_350 = arith.constant 384 : i32
    %dma_wait3A_351 = tpu.memref_slice %arg5[%dma_wait3A_350] : memref<2560xi32, #tpu.memory_space<vmem>> -> memref<128xi32, #tpu.memory_space<vmem>>
    %dma_wait3A_352 = arith.constant 0 : i32
    %dma_wait3A_353 = arith.constant 0 : i32
    %dma_wait3A_354 = tpu.memref_slice %arg7[%dma_wait3A_352, %dma_wait3A_353] : memref<84x32xf32, #tpu.memory_space<vmem_shared>> -> memref<84x32xf32, #tpu.memory_space<vmem_shared>>
    tpu.wait_indirect_dma semaphore(%arg8 : memref<!tpu.dma_semaphore, #tpu.memory_space<semaphore_mem>>) src(%dma_wait3A_354 : memref<84x32xf32, #tpu.memory_space<vmem_shared>>) dst(%dma_wait3A_349 : memref<128x32xf32, #tpu.memory_space<vmem>>)
    %dma_wait3A_355 = arith.constant 512 : i32
    %dma_wait3A_356 = arith.constant 0 : i32
    %dma_wait3A_357 = tpu.memref_slice %arg6[%dma_wait3A_355, %dma_wait3A_356] : memref<2560x32xf32, #tpu.memory_space<vmem>> -> memref<128x32xf32, #tpu.memory_space<vmem>>
    %dma_wait3A_358 = arith.constant 512 : i32
    %dma_wait3A_359 = tpu.memref_slice %arg5[%dma_wait3A_358] : memref<2560xi32, #tpu.memory_space<vmem>> -> memref<128xi32, #tpu.memory_space<vmem>>
    %dma_wait3A_360 = arith.constant 0 : i32
    %dma_wait3A_361 = arith.constant 0 : i32
    %dma_wait3A_362 = tpu.memref_slice %arg7[%dma_wait3A_360, %dma_wait3A_361] : memref<84x32xf32, #tpu.memory_space<vmem_shared>> -> memref<84x32xf32, #tpu.memory_space<vmem_shared>>
    tpu.wait_indirect_dma semaphore(%arg8 : memref<!tpu.dma_semaphore, #tpu.memory_space<semaphore_mem>>) src(%dma_wait3A_362 : memref<84x32xf32, #tpu.memory_space<vmem_shared>>) dst(%dma_wait3A_357 : memref<128x32xf32, #tpu.memory_space<vmem>>)
    %add3A_363 = arith.constant 0 : i32
    %add3A_364 = arith.addi %mul3A_2, %add3A_363 : i32
    %dma_start3A_365 = arith.constant 0 : i32
    %dma_start3A_366 = arith.constant 0 : i32
    %dma_start3A_367 = tpu.memref_slice %arg6[%dma_start3A_365, %dma_start3A_366] : memref<2560x32xf32, #tpu.memory_space<vmem>> -> memref<640x32xf32, #tpu.memory_space<vmem>>
    %dma_start3A_368 = arith.constant 0 : i32
    %dma_start3A_369 = tpu.memref_slice %arg4[%add3A_364, %dma_start3A_368] : memref<81920x32xf32, #tpu.memory_space<hbm>> -> memref<640x32xf32, #tpu.memory_space<hbm>>
    %dma_start3A_370 = arith.constant 0 : i32
    %dma_start3A_371 = tpu.memref_slice %arg4[%add3A_364, %dma_start3A_370] : memref<81920x32xf32, #tpu.memory_space<hbm>> -> memref<640x32xf32, #tpu.memory_space<hbm>>
    %dma_start3A_372 = arith.constant 0 : i32
    %dma_start3A_373 = arith.constant 0 : i32
    %dma_start3A_374 = tpu.memref_slice %arg6[%dma_start3A_372, %dma_start3A_373] : memref<2560x32xf32, #tpu.memory_space<vmem>> -> memref<640x32xf32, #tpu.memory_space<vmem>>
    tpu.enqueue_dma source(%dma_start3A_374 : memref<640x32xf32, #tpu.memory_space<vmem>>) target(%dma_start3A_371 : memref<640x32xf32, #tpu.memory_space<hbm>>) target_semaphore(%arg9 : memref<!tpu.dma_semaphore, #tpu.memory_space<semaphore_mem>>)
    %dma_wait3A_375 = arith.constant 640 : i32
    %dma_wait3A_376 = arith.constant 0 : i32
    %dma_wait3A_377 = tpu.memref_slice %arg6[%dma_wait3A_375, %dma_wait3A_376] : memref<2560x32xf32, #tpu.memory_space<vmem>> -> memref<128x32xf32, #tpu.memory_space<vmem>>
    %dma_wait3A_378 = arith.constant 640 : i32
    %dma_wait3A_379 = tpu.memref_slice %arg5[%dma_wait3A_378] : memref<2560xi32, #tpu.memory_space<vmem>> -> memref<128xi32, #tpu.memory_space<vmem>>
    %dma_wait3A_380 = arith.constant 0 : i32
    %dma_wait3A_381 = arith.constant 0 : i32
    %dma_wait3A_382 = tpu.memref_slice %arg7[%dma_wait3A_380, %dma_wait3A_381] : memref<84x32xf32, #tpu.memory_space<vmem_shared>> -> memref<84x32xf32, #tpu.memory_space<vmem_shared>>
    tpu.wait_indirect_dma semaphore(%arg8 : memref<!tpu.dma_semaphore, #tpu.memory_space<semaphore_mem>>) src(%dma_wait3A_382 : memref<84x32xf32, #tpu.memory_space<vmem_shared>>) dst(%dma_wait3A_377 : memref<128x32xf32, #tpu.memory_space<vmem>>)
    %dma_wait3A_383 = arith.constant 768 : i32
    %dma_wait3A_384 = arith.constant 0 : i32
    %dma_wait3A_385 = tpu.memref_slice %arg6[%dma_wait3A_383, %dma_wait3A_384] : memref<2560x32xf32, #tpu.memory_space<vmem>> -> memref<128x32xf32, #tpu.memory_space<vmem>>
    %dma_wait3A_386 = arith.constant 768 : i32
    %dma_wait3A_387 = tpu.memref_slice %arg5[%dma_wait3A_386] : memref<2560xi32, #tpu.memory_space<vmem>> -> memref<128xi32, #tpu.memory_space<vmem>>
    %dma_wait3A_388 = arith.constant 0 : i32
    %dma_wait3A_389 = arith.constant 0 : i32
    %dma_wait3A_390 = tpu.memref_slice %arg7[%dma_wait3A_388, %dma_wait3A_389] : memref<84x32xf32, #tpu.memory_space<vmem_shared>> -> memref<84x32xf32, #tpu.memory_space<vmem_shared>>
    tpu.wait_indirect_dma semaphore(%arg8 : memref<!tpu.dma_semaphore, #tpu.memory_space<semaphore_mem>>) src(%dma_wait3A_390 : memref<84x32xf32, #tpu.memory_space<vmem_shared>>) dst(%dma_wait3A_385 : memref<128x32xf32, #tpu.memory_space<vmem>>)
    %dma_wait3A_391 = arith.constant 896 : i32
    %dma_wait3A_392 = arith.constant 0 : i32
    %dma_wait3A_393 = tpu.memref_slice %arg6[%dma_wait3A_391, %dma_wait3A_392] : memref<2560x32xf32, #tpu.memory_space<vmem>> -> memref<128x32xf32, #tpu.memory_space<vmem>>
    %dma_wait3A_394 = arith.constant 896 : i32
    %dma_wait3A_395 = tpu.memref_slice %arg5[%dma_wait3A_394] : memref<2560xi32, #tpu.memory_space<vmem>> -> memref<128xi32, #tpu.memory_space<vmem>>
    %dma_wait3A_396 = arith.constant 0 : i32
    %dma_wait3A_397 = arith.constant 0 : i32
    %dma_wait3A_398 = tpu.memref_slice %arg7[%dma_wait3A_396, %dma_wait3A_397] : memref<84x32xf32, #tpu.memory_space<vmem_shared>> -> memref<84x32xf32, #tpu.memory_space<vmem_shared>>
    tpu.wait_indirect_dma semaphore(%arg8 : memref<!tpu.dma_semaphore, #tpu.memory_space<semaphore_mem>>) src(%dma_wait3A_398 : memref<84x32xf32, #tpu.memory_space<vmem_shared>>) dst(%dma_wait3A_393 : memref<128x32xf32, #tpu.memory_space<vmem>>)
    %dma_wait3A_399 = arith.constant 1024 : i32
    %dma_wait3A_400 = arith.constant 0 : i32
    %dma_wait3A_401 = tpu.memref_slice %arg6[%dma_wait3A_399, %dma_wait3A_400] : memref<2560x32xf32, #tpu.memory_space<vmem>> -> memref<128x32xf32, #tpu.memory_space<vmem>>
    %dma_wait3A_402 = arith.constant 1024 : i32
    %dma_wait3A_403 = tpu.memref_slice %arg5[%dma_wait3A_402] : memref<2560xi32, #tpu.memory_space<vmem>> -> memref<128xi32, #tpu.memory_space<vmem>>
    %dma_wait3A_404 = arith.constant 0 : i32
    %dma_wait3A_405 = arith.constant 0 : i32
    %dma_wait3A_406 = tpu.memref_slice %arg7[%dma_wait3A_404, %dma_wait3A_405] : memref<84x32xf32, #tpu.memory_space<vmem_shared>> -> memref<84x32xf32, #tpu.memory_space<vmem_shared>>
    tpu.wait_indirect_dma semaphore(%arg8 : memref<!tpu.dma_semaphore, #tpu.memory_space<semaphore_mem>>) src(%dma_wait3A_406 : memref<84x32xf32, #tpu.memory_space<vmem_shared>>) dst(%dma_wait3A_401 : memref<128x32xf32, #tpu.memory_space<vmem>>)
    %dma_wait3A_407 = arith.constant 1152 : i32
    %dma_wait3A_408 = arith.constant 0 : i32
    %dma_wait3A_409 = tpu.memref_slice %arg6[%dma_wait3A_407, %dma_wait3A_408] : memref<2560x32xf32, #tpu.memory_space<vmem>> -> memref<128x32xf32, #tpu.memory_space<vmem>>
    %dma_wait3A_410 = arith.constant 1152 : i32
    %dma_wait3A_411 = tpu.memref_slice %arg5[%dma_wait3A_410] : memref<2560xi32, #tpu.memory_space<vmem>> -> memref<128xi32, #tpu.memory_space<vmem>>
    %dma_wait3A_412 = arith.constant 0 : i32
    %dma_wait3A_413 = arith.constant 0 : i32
    %dma_wait3A_414 = tpu.memref_slice %arg7[%dma_wait3A_412, %dma_wait3A_413] : memref<84x32xf32, #tpu.memory_space<vmem_shared>> -> memref<84x32xf32, #tpu.memory_space<vmem_shared>>
    tpu.wait_indirect_dma semaphore(%arg8 : memref<!tpu.dma_semaphore, #tpu.memory_space<semaphore_mem>>) src(%dma_wait3A_414 : memref<84x32xf32, #tpu.memory_space<vmem_shared>>) dst(%dma_wait3A_409 : memref<128x32xf32, #tpu.memory_space<vmem>>)
    %add3A_415 = arith.constant 640 : i32
    %add3A_416 = arith.addi %mul3A_2, %add3A_415 : i32
    %dma_start3A_417 = arith.constant 640 : i32
    %dma_start3A_418 = arith.constant 0 : i32
    %dma_start3A_419 = tpu.memref_slice %arg6[%dma_start3A_417, %dma_start3A_418] : memref<2560x32xf32, #tpu.memory_space<vmem>> -> memref<640x32xf32, #tpu.memory_space<vmem>>
    %dma_start3A_420 = arith.constant 0 : i32
    %dma_start3A_421 = tpu.memref_slice %arg4[%add3A_416, %dma_start3A_420] : memref<81920x32xf32, #tpu.memory_space<hbm>> -> memref<640x32xf32, #tpu.memory_space<hbm>>
    %dma_start3A_422 = arith.constant 0 : i32
    %dma_start3A_423 = tpu.memref_slice %arg4[%add3A_416, %dma_start3A_422] : memref<81920x32xf32, #tpu.memory_space<hbm>> -> memref<640x32xf32, #tpu.memory_space<hbm>>
    %dma_start3A_424 = arith.constant 640 : i32
    %dma_start3A_425 = arith.constant 0 : i32
    %dma_start3A_426 = tpu.memref_slice %arg6[%dma_start3A_424, %dma_start3A_425] : memref<2560x32xf32, #tpu.memory_space<vmem>> -> memref<640x32xf32, #tpu.memory_space<vmem>>
    tpu.enqueue_dma source(%dma_start3A_426 : memref<640x32xf32, #tpu.memory_space<vmem>>) target(%dma_start3A_423 : memref<640x32xf32, #tpu.memory_space<hbm>>) target_semaphore(%arg9 : memref<!tpu.dma_semaphore, #tpu.memory_space<semaphore_mem>>)
    %dma_wait3A_427 = arith.constant 1280 : i32
    %dma_wait3A_428 = arith.constant 0 : i32
    %dma_wait3A_429 = tpu.memref_slice %arg6[%dma_wait3A_427, %dma_wait3A_428] : memref<2560x32xf32, #tpu.memory_space<vmem>> -> memref<128x32xf32, #tpu.memory_space<vmem>>
    %dma_wait3A_430 = arith.constant 1280 : i32
    %dma_wait3A_431 = tpu.memref_slice %arg5[%dma_wait3A_430] : memref<2560xi32, #tpu.memory_space<vmem>> -> memref<128xi32, #tpu.memory_space<vmem>>
    %dma_wait3A_432 = arith.constant 0 : i32
    %dma_wait3A_433 = arith.constant 0 : i32
    %dma_wait3A_434 = tpu.memref_slice %arg7[%dma_wait3A_432, %dma_wait3A_433] : memref<84x32xf32, #tpu.memory_space<vmem_shared>> -> memref<84x32xf32, #tpu.memory_space<vmem_shared>>
    tpu.wait_indirect_dma semaphore(%arg8 : memref<!tpu.dma_semaphore, #tpu.memory_space<semaphore_mem>>) src(%dma_wait3A_434 : memref<84x32xf32, #tpu.memory_space<vmem_shared>>) dst(%dma_wait3A_429 : memref<128x32xf32, #tpu.memory_space<vmem>>)
    %dma_wait3A_435 = arith.constant 1408 : i32
    %dma_wait3A_436 = arith.constant 0 : i32
    %dma_wait3A_437 = tpu.memref_slice %arg6[%dma_wait3A_435, %dma_wait3A_436] : memref<2560x32xf32, #tpu.memory_space<vmem>> -> memref<128x32xf32, #tpu.memory_space<vmem>>
    %dma_wait3A_438 = arith.constant 1408 : i32
    %dma_wait3A_439 = tpu.memref_slice %arg5[%dma_wait3A_438] : memref<2560xi32, #tpu.memory_space<vmem>> -> memref<128xi32, #tpu.memory_space<vmem>>
    %dma_wait3A_440 = arith.constant 0 : i32
    %dma_wait3A_441 = arith.constant 0 : i32
    %dma_wait3A_442 = tpu.memref_slice %arg7[%dma_wait3A_440, %dma_wait3A_441] : memref<84x32xf32, #tpu.memory_space<vmem_shared>> -> memref<84x32xf32, #tpu.memory_space<vmem_shared>>
    tpu.wait_indirect_dma semaphore(%arg8 : memref<!tpu.dma_semaphore, #tpu.memory_space<semaphore_mem>>) src(%dma_wait3A_442 : memref<84x32xf32, #tpu.memory_space<vmem_shared>>) dst(%dma_wait3A_437 : memref<128x32xf32, #tpu.memory_space<vmem>>)
    %dma_wait3A_443 = arith.constant 1536 : i32
    %dma_wait3A_444 = arith.constant 0 : i32
    %dma_wait3A_445 = tpu.memref_slice %arg6[%dma_wait3A_443, %dma_wait3A_444] : memref<2560x32xf32, #tpu.memory_space<vmem>> -> memref<128x32xf32, #tpu.memory_space<vmem>>
    %dma_wait3A_446 = arith.constant 1536 : i32
    %dma_wait3A_447 = tpu.memref_slice %arg5[%dma_wait3A_446] : memref<2560xi32, #tpu.memory_space<vmem>> -> memref<128xi32, #tpu.memory_space<vmem>>
    %dma_wait3A_448 = arith.constant 0 : i32
    %dma_wait3A_449 = arith.constant 0 : i32
    %dma_wait3A_450 = tpu.memref_slice %arg7[%dma_wait3A_448, %dma_wait3A_449] : memref<84x32xf32, #tpu.memory_space<vmem_shared>> -> memref<84x32xf32, #tpu.memory_space<vmem_shared>>
    tpu.wait_indirect_dma semaphore(%arg8 : memref<!tpu.dma_semaphore, #tpu.memory_space<semaphore_mem>>) src(%dma_wait3A_450 : memref<84x32xf32, #tpu.memory_space<vmem_shared>>) dst(%dma_wait3A_445 : memref<128x32xf32, #tpu.memory_space<vmem>>)
    %dma_wait3A_451 = arith.constant 1664 : i32
    %dma_wait3A_452 = arith.constant 0 : i32
    %dma_wait3A_453 = tpu.memref_slice %arg6[%dma_wait3A_451, %dma_wait3A_452] : memref<2560x32xf32, #tpu.memory_space<vmem>> -> memref<128x32xf32, #tpu.memory_space<vmem>>
    %dma_wait3A_454 = arith.constant 1664 : i32
    %dma_wait3A_455 = tpu.memref_slice %arg5[%dma_wait3A_454] : memref<2560xi32, #tpu.memory_space<vmem>> -> memref<128xi32, #tpu.memory_space<vmem>>
    %dma_wait3A_456 = arith.constant 0 : i32
    %dma_wait3A_457 = arith.constant 0 : i32
    %dma_wait3A_458 = tpu.memref_slice %arg7[%dma_wait3A_456, %dma_wait3A_457] : memref<84x32xf32, #tpu.memory_space<vmem_shared>> -> memref<84x32xf32, #tpu.memory_space<vmem_shared>>
    tpu.wait_indirect_dma semaphore(%arg8 : memref<!tpu.dma_semaphore, #tpu.memory_space<semaphore_mem>>) src(%dma_wait3A_458 : memref<84x32xf32, #tpu.memory_space<vmem_shared>>) dst(%dma_wait3A_453 : memref<128x32xf32, #tpu.memory_space<vmem>>)
    %dma_wait3A_459 = arith.constant 1792 : i32
    %dma_wait3A_460 = arith.constant 0 : i32
    %dma_wait3A_461 = tpu.memref_slice %arg6[%dma_wait3A_459, %dma_wait3A_460] : memref<2560x32xf32, #tpu.memory_space<vmem>> -> memref<128x32xf32, #tpu.memory_space<vmem>>
    %dma_wait3A_462 = arith.constant 1792 : i32
    %dma_wait3A_463 = tpu.memref_slice %arg5[%dma_wait3A_462] : memref<2560xi32, #tpu.memory_space<vmem>> -> memref<128xi32, #tpu.memory_space<vmem>>
    %dma_wait3A_464 = arith.constant 0 : i32
    %dma_wait3A_465 = arith.constant 0 : i32
    %dma_wait3A_466 = tpu.memref_slice %arg7[%dma_wait3A_464, %dma_wait3A_465] : memref<84x32xf32, #tpu.memory_space<vmem_shared>> -> memref<84x32xf32, #tpu.memory_space<vmem_shared>>
    tpu.wait_indirect_dma semaphore(%arg8 : memref<!tpu.dma_semaphore, #tpu.memory_space<semaphore_mem>>) src(%dma_wait3A_466 : memref<84x32xf32, #tpu.memory_space<vmem_shared>>) dst(%dma_wait3A_461 : memref<128x32xf32, #tpu.memory_space<vmem>>)
    %add3A_467 = arith.constant 1280 : i32
    %add3A_468 = arith.addi %mul3A_2, %add3A_467 : i32
    %dma_start3A_469 = arith.constant 1280 : i32
    %dma_start3A_470 = arith.constant 0 : i32
    %dma_start3A_471 = tpu.memref_slice %arg6[%dma_start3A_469, %dma_start3A_470] : memref<2560x32xf32, #tpu.memory_space<vmem>> -> memref<640x32xf32, #tpu.memory_space<vmem>>
    %dma_start3A_472 = arith.constant 0 : i32
    %dma_start3A_473 = tpu.memref_slice %arg4[%add3A_468, %dma_start3A_472] : memref<81920x32xf32, #tpu.memory_space<hbm>> -> memref<640x32xf32, #tpu.memory_space<hbm>>
    %dma_start3A_474 = arith.constant 0 : i32
    %dma_start3A_475 = tpu.memref_slice %arg4[%add3A_468, %dma_start3A_474] : memref<81920x32xf32, #tpu.memory_space<hbm>> -> memref<640x32xf32, #tpu.memory_space<hbm>>
    %dma_start3A_476 = arith.constant 1280 : i32
    %dma_start3A_477 = arith.constant 0 : i32
    %dma_start3A_478 = tpu.memref_slice %arg6[%dma_start3A_476, %dma_start3A_477] : memref<2560x32xf32, #tpu.memory_space<vmem>> -> memref<640x32xf32, #tpu.memory_space<vmem>>
    tpu.enqueue_dma source(%dma_start3A_478 : memref<640x32xf32, #tpu.memory_space<vmem>>) target(%dma_start3A_475 : memref<640x32xf32, #tpu.memory_space<hbm>>) target_semaphore(%arg9 : memref<!tpu.dma_semaphore, #tpu.memory_space<semaphore_mem>>)
    %dma_wait3A_479 = arith.constant 1920 : i32
    %dma_wait3A_480 = arith.constant 0 : i32
    %dma_wait3A_481 = tpu.memref_slice %arg6[%dma_wait3A_479, %dma_wait3A_480] : memref<2560x32xf32, #tpu.memory_space<vmem>> -> memref<128x32xf32, #tpu.memory_space<vmem>>
    %dma_wait3A_482 = arith.constant 1920 : i32
    %dma_wait3A_483 = tpu.memref_slice %arg5[%dma_wait3A_482] : memref<2560xi32, #tpu.memory_space<vmem>> -> memref<128xi32, #tpu.memory_space<vmem>>
    %dma_wait3A_484 = arith.constant 0 : i32
    %dma_wait3A_485 = arith.constant 0 : i32
    %dma_wait3A_486 = tpu.memref_slice %arg7[%dma_wait3A_484, %dma_wait3A_485] : memref<84x32xf32, #tpu.memory_space<vmem_shared>> -> memref<84x32xf32, #tpu.memory_space<vmem_shared>>
    tpu.wait_indirect_dma semaphore(%arg8 : memref<!tpu.dma_semaphore, #tpu.memory_space<semaphore_mem>>) src(%dma_wait3A_486 : memref<84x32xf32, #tpu.memory_space<vmem_shared>>) dst(%dma_wait3A_481 : memref<128x32xf32, #tpu.memory_space<vmem>>)
    %dma_wait3A_487 = arith.constant 2048 : i32
    %dma_wait3A_488 = arith.constant 0 : i32
    %dma_wait3A_489 = tpu.memref_slice %arg6[%dma_wait3A_487, %dma_wait3A_488] : memref<2560x32xf32, #tpu.memory_space<vmem>> -> memref<128x32xf32, #tpu.memory_space<vmem>>
    %dma_wait3A_490 = arith.constant 2048 : i32
    %dma_wait3A_491 = tpu.memref_slice %arg5[%dma_wait3A_490] : memref<2560xi32, #tpu.memory_space<vmem>> -> memref<128xi32, #tpu.memory_space<vmem>>
    %dma_wait3A_492 = arith.constant 0 : i32
    %dma_wait3A_493 = arith.constant 0 : i32
    %dma_wait3A_494 = tpu.memref_slice %arg7[%dma_wait3A_492, %dma_wait3A_493] : memref<84x32xf32, #tpu.memory_space<vmem_shared>> -> memref<84x32xf32, #tpu.memory_space<vmem_shared>>
    tpu.wait_indirect_dma semaphore(%arg8 : memref<!tpu.dma_semaphore, #tpu.memory_space<semaphore_mem>>) src(%dma_wait3A_494 : memref<84x32xf32, #tpu.memory_space<vmem_shared>>) dst(%dma_wait3A_489 : memref<128x32xf32, #tpu.memory_space<vmem>>)
    %dma_wait3A_495 = arith.constant 2176 : i32
    %dma_wait3A_496 = arith.constant 0 : i32
    %dma_wait3A_497 = tpu.memref_slice %arg6[%dma_wait3A_495, %dma_wait3A_496] : memref<2560x32xf32, #tpu.memory_space<vmem>> -> memref<128x32xf32, #tpu.memory_space<vmem>>
    %dma_wait3A_498 = arith.constant 2176 : i32
    %dma_wait3A_499 = tpu.memref_slice %arg5[%dma_wait3A_498] : memref<2560xi32, #tpu.memory_space<vmem>> -> memref<128xi32, #tpu.memory_space<vmem>>
    %dma_wait3A_500 = arith.constant 0 : i32
    %dma_wait3A_501 = arith.constant 0 : i32
    %dma_wait3A_502 = tpu.memref_slice %arg7[%dma_wait3A_500, %dma_wait3A_501] : memref<84x32xf32, #tpu.memory_space<vmem_shared>> -> memref<84x32xf32, #tpu.memory_space<vmem_shared>>
    tpu.wait_indirect_dma semaphore(%arg8 : memref<!tpu.dma_semaphore, #tpu.memory_space<semaphore_mem>>) src(%dma_wait3A_502 : memref<84x32xf32, #tpu.memory_space<vmem_shared>>) dst(%dma_wait3A_497 : memref<128x32xf32, #tpu.memory_space<vmem>>)
    %dma_wait3A_503 = arith.constant 2304 : i32
    %dma_wait3A_504 = arith.constant 0 : i32
    %dma_wait3A_505 = tpu.memref_slice %arg6[%dma_wait3A_503, %dma_wait3A_504] : memref<2560x32xf32, #tpu.memory_space<vmem>> -> memref<128x32xf32, #tpu.memory_space<vmem>>
    %dma_wait3A_506 = arith.constant 2304 : i32
    %dma_wait3A_507 = tpu.memref_slice %arg5[%dma_wait3A_506] : memref<2560xi32, #tpu.memory_space<vmem>> -> memref<128xi32, #tpu.memory_space<vmem>>
    %dma_wait3A_508 = arith.constant 0 : i32
    %dma_wait3A_509 = arith.constant 0 : i32
    %dma_wait3A_510 = tpu.memref_slice %arg7[%dma_wait3A_508, %dma_wait3A_509] : memref<84x32xf32, #tpu.memory_space<vmem_shared>> -> memref<84x32xf32, #tpu.memory_space<vmem_shared>>
    tpu.wait_indirect_dma semaphore(%arg8 : memref<!tpu.dma_semaphore, #tpu.memory_space<semaphore_mem>>) src(%dma_wait3A_510 : memref<84x32xf32, #tpu.memory_space<vmem_shared>>) dst(%dma_wait3A_505 : memref<128x32xf32, #tpu.memory_space<vmem>>)
    %dma_wait3A_511 = arith.constant 2432 : i32
    %dma_wait3A_512 = arith.constant 0 : i32
    %dma_wait3A_513 = tpu.memref_slice %arg6[%dma_wait3A_511, %dma_wait3A_512] : memref<2560x32xf32, #tpu.memory_space<vmem>> -> memref<128x32xf32, #tpu.memory_space<vmem>>
    %dma_wait3A_514 = arith.constant 2432 : i32
    %dma_wait3A_515 = tpu.memref_slice %arg5[%dma_wait3A_514] : memref<2560xi32, #tpu.memory_space<vmem>> -> memref<128xi32, #tpu.memory_space<vmem>>
    %dma_wait3A_516 = arith.constant 0 : i32
    %dma_wait3A_517 = arith.constant 0 : i32
    %dma_wait3A_518 = tpu.memref_slice %arg7[%dma_wait3A_516, %dma_wait3A_517] : memref<84x32xf32, #tpu.memory_space<vmem_shared>> -> memref<84x32xf32, #tpu.memory_space<vmem_shared>>
    tpu.wait_indirect_dma semaphore(%arg8 : memref<!tpu.dma_semaphore, #tpu.memory_space<semaphore_mem>>) src(%dma_wait3A_518 : memref<84x32xf32, #tpu.memory_space<vmem_shared>>) dst(%dma_wait3A_513 : memref<128x32xf32, #tpu.memory_space<vmem>>)
    %add3A_519 = arith.constant 1920 : i32
    %add3A_520 = arith.addi %mul3A_2, %add3A_519 : i32
    %dma_start3A_521 = arith.constant 1920 : i32
    %dma_start3A_522 = arith.constant 0 : i32
    %dma_start3A_523 = tpu.memref_slice %arg6[%dma_start3A_521, %dma_start3A_522] : memref<2560x32xf32, #tpu.memory_space<vmem>> -> memref<640x32xf32, #tpu.memory_space<vmem>>
    %dma_start3A_524 = arith.constant 0 : i32
    %dma_start3A_525 = tpu.memref_slice %arg4[%add3A_520, %dma_start3A_524] : memref<81920x32xf32, #tpu.memory_space<hbm>> -> memref<640x32xf32, #tpu.memory_space<hbm>>
    %dma_start3A_526 = arith.constant 0 : i32
    %dma_start3A_527 = tpu.memref_slice %arg4[%add3A_520, %dma_start3A_526] : memref<81920x32xf32, #tpu.memory_space<hbm>> -> memref<640x32xf32, #tpu.memory_space<hbm>>
    %dma_start3A_528 = arith.constant 1920 : i32
    %dma_start3A_529 = arith.constant 0 : i32
    %dma_start3A_530 = tpu.memref_slice %arg6[%dma_start3A_528, %dma_start3A_529] : memref<2560x32xf32, #tpu.memory_space<vmem>> -> memref<640x32xf32, #tpu.memory_space<vmem>>
    tpu.enqueue_dma source(%dma_start3A_530 : memref<640x32xf32, #tpu.memory_space<vmem>>) target(%dma_start3A_527 : memref<640x32xf32, #tpu.memory_space<hbm>>) target_semaphore(%arg9 : memref<!tpu.dma_semaphore, #tpu.memory_space<semaphore_mem>>)
    %dma_wait3A_531 = arith.constant 0 : i32
    %dma_wait3A_532 = arith.constant 0 : i32
    %dma_wait3A_533 = tpu.memref_slice %arg6[%dma_wait3A_531, %dma_wait3A_532] : memref<2560x32xf32, #tpu.memory_space<vmem>> -> memref<640x32xf32, #tpu.memory_space<vmem>>
    %dma_wait3A_534 = arith.constant 0 : i32
    %dma_wait3A_535 = tpu.memref_slice %arg4[%add3A_364, %dma_wait3A_534] : memref<81920x32xf32, #tpu.memory_space<hbm>> -> memref<640x32xf32, #tpu.memory_space<hbm>>
    %dma_wait3A_536 = arith.constant 0 : i32
    %dma_wait3A_537 = tpu.memref_slice %arg4[%add3A_364, %dma_wait3A_536] : memref<81920x32xf32, #tpu.memory_space<hbm>> -> memref<640x32xf32, #tpu.memory_space<hbm>>
    %dma_wait3A_538 = arith.constant 0 : i32
    %dma_wait3A_539 = arith.constant 0 : i32
    %dma_wait3A_540 = tpu.memref_slice %arg6[%dma_wait3A_538, %dma_wait3A_539] : memref<2560x32xf32, #tpu.memory_space<vmem>> -> memref<640x32xf32, #tpu.memory_space<vmem>>
    tpu.wait_dma2 semaphore(%arg9 : memref<!tpu.dma_semaphore, #tpu.memory_space<semaphore_mem>>) src(%dma_wait3A_540 : memref<640x32xf32, #tpu.memory_space<vmem>>) dst(%dma_wait3A_537 : memref<640x32xf32, #tpu.memory_space<hbm>>)
    %dma_wait3A_541 = arith.constant 640 : i32
    %dma_wait3A_542 = arith.constant 0 : i32
    %dma_wait3A_543 = tpu.memref_slice %arg6[%dma_wait3A_541, %dma_wait3A_542] : memref<2560x32xf32, #tpu.memory_space<vmem>> -> memref<640x32xf32, #tpu.memory_space<vmem>>
    %dma_wait3A_544 = arith.constant 0 : i32
    %dma_wait3A_545 = tpu.memref_slice %arg4[%add3A_416, %dma_wait3A_544] : memref<81920x32xf32, #tpu.memory_space<hbm>> -> memref<640x32xf32, #tpu.memory_space<hbm>>
    %dma_wait3A_546 = arith.constant 0 : i32
    %dma_wait3A_547 = tpu.memref_slice %arg4[%add3A_416, %dma_wait3A_546] : memref<81920x32xf32, #tpu.memory_space<hbm>> -> memref<640x32xf32, #tpu.memory_space<hbm>>
    %dma_wait3A_548 = arith.constant 640 : i32
    %dma_wait3A_549 = arith.constant 0 : i32
    %dma_wait3A_550 = tpu.memref_slice %arg6[%dma_wait3A_548, %dma_wait3A_549] : memref<2560x32xf32, #tpu.memory_space<vmem>> -> memref<640x32xf32, #tpu.memory_space<vmem>>
    tpu.wait_dma2 semaphore(%arg9 : memref<!tpu.dma_semaphore, #tpu.memory_space<semaphore_mem>>) src(%dma_wait3A_550 : memref<640x32xf32, #tpu.memory_space<vmem>>) dst(%dma_wait3A_547 : memref<640x32xf32, #tpu.memory_space<hbm>>)
    %dma_wait3A_551 = arith.constant 1280 : i32
    %dma_wait3A_552 = arith.constant 0 : i32
    %dma_wait3A_553 = tpu.memref_slice %arg6[%dma_wait3A_551, %dma_wait3A_552] : memref<2560x32xf32, #tpu.memory_space<vmem>> -> memref<640x32xf32, #tpu.memory_space<vmem>>
    %dma_wait3A_554 = arith.constant 0 : i32
    %dma_wait3A_555 = tpu.memref_slice %arg4[%add3A_468, %dma_wait3A_554] : memref<81920x32xf32, #tpu.memory_space<hbm>> -> memref<640x32xf32, #tpu.memory_space<hbm>>
    %dma_wait3A_556 = arith.constant 0 : i32
    %dma_wait3A_557 = tpu.memref_slice %arg4[%add3A_468, %dma_wait3A_556] : memref<81920x32xf32, #tpu.memory_space<hbm>> -> memref<640x32xf32, #tpu.memory_space<hbm>>
    %dma_wait3A_558 = arith.constant 1280 : i32
    %dma_wait3A_559 = arith.constant 0 : i32
    %dma_wait3A_560 = tpu.memref_slice %arg6[%dma_wait3A_558, %dma_wait3A_559] : memref<2560x32xf32, #tpu.memory_space<vmem>> -> memref<640x32xf32, #tpu.memory_space<vmem>>
    tpu.wait_dma2 semaphore(%arg9 : memref<!tpu.dma_semaphore, #tpu.memory_space<semaphore_mem>>) src(%dma_wait3A_560 : memref<640x32xf32, #tpu.memory_space<vmem>>) dst(%dma_wait3A_557 : memref<640x32xf32, #tpu.memory_space<hbm>>)
    %dma_wait3A_561 = arith.constant 1920 : i32
    %dma_wait3A_562 = arith.constant 0 : i32
    %dma_wait3A_563 = tpu.memref_slice %arg6[%dma_wait3A_561, %dma_wait3A_562] : memref<2560x32xf32, #tpu.memory_space<vmem>> -> memref<640x32xf32, #tpu.memory_space<vmem>>
    %dma_wait3A_564 = arith.constant 0 : i32
    %dma_wait3A_565 = tpu.memref_slice %arg4[%add3A_520, %dma_wait3A_564] : memref<81920x32xf32, #tpu.memory_space<hbm>> -> memref<640x32xf32, #tpu.memory_space<hbm>>
    %dma_wait3A_566 = arith.constant 0 : i32
    %dma_wait3A_567 = tpu.memref_slice %arg4[%add3A_520, %dma_wait3A_566] : memref<81920x32xf32, #tpu.memory_space<hbm>> -> memref<640x32xf32, #tpu.memory_space<hbm>>
    %dma_wait3A_568 = arith.constant 1920 : i32
    %dma_wait3A_569 = arith.constant 0 : i32
    %dma_wait3A_570 = tpu.memref_slice %arg6[%dma_wait3A_568, %dma_wait3A_569] : memref<2560x32xf32, #tpu.memory_space<vmem>> -> memref<640x32xf32, #tpu.memory_space<vmem>>
    tpu.wait_dma2 semaphore(%arg9 : memref<!tpu.dma_semaphore, #tpu.memory_space<semaphore_mem>>) src(%dma_wait3A_570 : memref<640x32xf32, #tpu.memory_space<vmem>>) dst(%dma_wait3A_567 : memref<640x32xf32, #tpu.memory_space<hbm>>)
    return
  }
}

</mosaic_0001>

<sc_bundles>
// kernel: _run.3.cloned.1.call-start
scs
__scs_entry_jumppad:
0x0: {  	(pc) =	sbr.rel $0x88, $3  }
0x1: {  	(tag) =	ssettag $0x0;
	lr =	simm.s32 $0x1  }
0x2: {  	[smem:$0x3F9F] =	sst lr;
	_ =	strace $0xD0000000  }
0x3: {  	_ = 	snop  }
0x4: {  	_ = 	snop  }
0x5: {  	_ = 	snop  }
0x6: {  	_ = 	snop  }
0x7: {  	_ = 	snop  }
__scs_overlays_trampoline_lowered:
0x8: {  	[smem:$0x3FAE] =	sst s0  }
0x9: {  	[smem:$0x3FAF] =	sst s1  }
0xa: {  	[smem:$0x3FB0] =	sst s2  }
0xb: {  	[smem:$0x3FB1] =	sst s3  }
0xc: {  	[smem:$0x3FB2] =	sst s4  }
0xd: {  	[smem:$0x3FB3] =	sst s5  }
0xe: {  	[smem:$0x3FB4] =	sst s6  }
0xf: {  	[smem:$0x3FB5] =	sst s7  }
0x10: {  	[smem:$0x3FB6] =	sst s8  }
0x11: {  	[smem:$0x3FB7] =	sst s9;
	s0 =	simm.s32 @!p0 $0x0  }
0x12: {  	s1 =	sld [smem:$0x3F9D];
	s0 =	simm.s32 @p0 $0x1  }
0x13: {  	[smem:$0x3FB8] =	sst s0;
	s0 =	simm.s32 @!p1 $0x0  }
0x14: {  	s2 =	sld [smem:$0x3F9C];
	s0 =	simm.s32 @p1 $0x1  }
0x15: {  	[smem:$0x3FB9] =	sst s0;
	s0 =	simm.s32 @!p2 $0x0  }
0x16: {  	s3 =	sld [smem:$0x3FDB];
	s0 =	simm.s32 @p2 $0x1  }
0x17: {  	s4 =	simm.s32 $0x1BF5;
	[smem:$0x3FBB] =	sst s0  }
0x18: {  	s0 =	sld [smem:$0x3F9E];
	_ =	swait.ge [sflag:s4], $0x0  }
0x19: {  	s7 =	sld [smem:$0x3F9F]  }
0x1a: {  	s8 =	sadd.s32 $0xFFFFE003, lr  }
0x1b: {  	s9 =	sadd.s32 $0xFFFFFEF7, lr;
	s5 =	simm.s32 $0xFFFFFFFF;
	p2 =	slt.u32 s8, $0xFFFFF086  }
0x1c: {  	p1 =	slt.u32 s9, $0xF7A;
	s5 =	simm.s32 @!p2 $0x0  }
0x1d: {  	s5 =	simm.s32 @p1 $0x1;
	p0 =	seq.s32 s7, s2  }
0x1e: {  	s7 =	smul.u32 @!p0 $0xF7A, s2;
	p2 =	seq.s32 @!p0 s5, $0x0  }
0x1f: {  	s9 =	smul.u32 $0xF7A, s1;
	s8 =	simm.s32 @!p0 $0x1BF5;
	p2 =	por !p2, p0  }
0x20: {  	[sflag:s8] =	ssyncset.s32 @!p0 $0xFFFFF086;
	s6 =	sadd.s32 @!p0 s3, s7;
	s7 =	simm.s32 @!p0 $0x108  }
0x21: {  	s3 =	sadd.s32 s3, s9;
	s6 =	sadd.s32 @!p0 $0x88, s6;
	s7 =	simm.s32 @p2 $0x1082  }
0x22: {  	[simem:s7], [sflag:s8] =	dma.local @!p0 [hbm:s6], $0xF7A  }
0x23: {  	s9 =	sor.u32 $0xD0000000, s2;
	s6 =	simm.s32 $0x108;
	_ =	swait.ge @!p0 [sflag:s8], $0x0  }
0x24: {  	s3 =	sadd.s32 $0x88, s3;
	s6 =	simm.s32 @!p1 $0x1082;
	[sflag:s4] =	ssyncset.s32 $0xFFFFF086  }
0x25: {  	[simem:s6], [sflag:s4] =	dma.local [hbm:s3], $0xF7A  }
0x26: {  	[smem:$0x3F9F] =	sst s1;
	(tag) =	ssettag s2;
	_ =	strace s9  }
0x27: {  	s1 =	sld [smem:$0x3FAF]  }
0x28: {  	s2 =	sld [smem:$0x3FB0]  }
0x29: {  	s4 =	sld [smem:$0x3FB2]  }
0x2a: {  	p0 =	seq.s32 s5, $0x0;
	s5 =	sld [smem:$0x3FB3]  }
0x2b: {  	s6 =	sld [smem:$0x3FB4]  }
0x2c: {  	s7 =	sld [smem:$0x3FB5]  }
0x2d: {  	s3 =	simm.s32 $0x108;
	s8 =	sld [smem:$0x3FB6]  }
0x2e: {  	s3 =	simm.s32 @!p0 $0x1082;
	s9 =	sld [smem:$0x3FB7]  }
0x2f: {  	lr =	sadd.s32 s0, s3;
	s0 =	sld [smem:$0x3FAE]  }
0x30: {  	s3 =	sld [smem:$0x3FB1]  }
0x31: {  	[smem:$0x3FBA] =	sst s10  }
0x32: {  	s10 =	sld [smem:$0x3FB8];
	_ =	sdelay $0x3  }
0x33: {  	p0 =	seq.s32 s10, $0x1;
	s10 =	sld [smem:$0x3FBA];
	_ =	sdelay $0x3  }
0x34: {  	[smem:$0x3FBA] =	sst s10  }
0x35: {  	s10 =	sld [smem:$0x3FB9];
	_ =	sdelay $0x3  }
0x36: {  	p1 =	seq.s32 s10, $0x1;
	s10 =	sld [smem:$0x3FBA];
	_ =	sdelay $0x3  }
0x37: {  	[smem:$0x3FBA] =	sst s10  }
0x38: {  	s10 =	sld [smem:$0x3FBB]  }
0x39: {  	_ = 	snop;
	(pc) =	sbr.ind lr, $3  }
0x3a: {  	_ = 	snop  }
0x3b: {  	_ = 	snop  }
0x3c: {  	p2 =	seq.s32 s10, $0x1;
	s10 =	sld [smem:$0x3FBA]  }
0x3d: {  	_ =	shalt  }
0x3e: {  	_ =	shalt  }
0x3f: {  	_ =	shalt  }
0x40: {  	_ =	shalt  }
0x41: {  	_ =	shalt  }
0x42: {  	_ =	shalt  }
0x43: {  	_ =	shalt  }
0x44: {  	_ =	shalt  }
0x45: {  	_ =	shalt  }
0x46: {  	_ =	shalt  }
0x47: {  	_ =	shalt  }
0x48: {  	_ =	shalt  }
0x49: {  	_ =	shalt  }
0x4a: {  	_ =	shalt  }
0x4b: {  	_ =	shalt  }
0x4c: {  	_ =	shalt  }
0x4d: {  	_ =	shalt  }
0x4e: {  	_ =	shalt  }
0x4f: {  	_ =	shalt  }
0x50: {  	_ =	shalt  }
0x51: {  	_ =	shalt  }
0x52: {  	_ =	shalt  }
0x53: {  	_ =	shalt  }
0x54: {  	_ =	shalt  }
0x55: {  	_ =	shalt  }
0x56: {  	_ =	shalt  }
0x57: {  	_ =	shalt  }
0x58: {  	_ =	shalt  }
0x59: {  	_ =	shalt  }
0x5a: {  	_ =	shalt  }
0x5b: {  	_ =	shalt  }
0x5c: {  	_ =	shalt  }
0x5d: {  	_ =	shalt  }
0x5e: {  	_ =	shalt  }
0x5f: {  	_ =	shalt  }
0x60: {  	_ =	shalt  }
0x61: {  	_ =	shalt  }
0x62: {  	_ =	shalt  }
0x63: {  	_ =	shalt  }
0x64: {  	_ =	shalt  }
0x65: {  	_ =	shalt  }
0x66: {  	_ =	shalt  }
0x67: {  	_ =	shalt  }
0x68: {  	_ =	shalt  }
0x69: {  	_ =	shalt  }
0x6a: {  	_ =	shalt  }
0x6b: {  	_ =	shalt  }
0x6c: {  	_ =	shalt  }
0x6d: {  	_ =	shalt  }
0x6e: {  	_ =	shalt  }
0x6f: {  	_ =	shalt  }
0x70: {  	_ =	shalt  }
0x71: {  	_ =	shalt  }
0x72: {  	_ =	shalt  }
0x73: {  	_ =	shalt  }
0x74: {  	_ =	shalt  }
0x75: {  	_ =	shalt  }
0x76: {  	_ =	shalt  }
0x77: {  	_ =	shalt  }
0x78: {  	_ =	shalt  }
0x79: {  	_ =	shalt  }
0x7a: {  	_ =	shalt  }
0x7b: {  	_ =	shalt  }
0x7c: {  	_ =	shalt  }
0x7d: {  	_ =	shalt  }
0x7e: {  	_ =	shalt  }
0x7f: {  	_ =	shalt  }
0x80: {  	_ =	shalt  }
0x81: {  	_ =	shalt  }
0x82: {  	_ =	shalt  }
0x83: {  	_ =	shalt  }
0x84: {  	_ =	shalt  }
0x85: {  	_ =	shalt  }
0x86: {  	_ =	shalt  }
0x87: {  	_ =	shalt  }
.Lfunc_end0:
.L_simem_size_0:
called_computation_lowered:
.L_overlay_start_0:
0x88: {  	s2 =	sld [smem:$0x3FD9]  }
0x89: {  	s3 =	sld [smem:$0x3FFE];
	_ =	sdelay $0x1  }
0x8a: {  	s1 =	srdreg.scid  }
0x8b: {  	s0 =	sand.u32 $0x1, s1  }
0x8c: {  	s17 =	sshll.u32 s0, $0xA;
	s2 =	sadd.s32 s3, s2  }
0x8d: {  	s2 =	sadd.s32 s2, s17  }
0x8e: {  	[smem:$0x3FC6] =	sst s2  }
0x8f: {  	_ = 	snop  }
0x90: {  	s2 =	sld [smem:$0x3FC9]  }
0x91: {  	s18 =	sld [smem:$0x3FD0];
	(tm) =	ssettm $0x1  }
0x92: {  	s4 =	sld [smem:$0x3FFB];
	_ =	sdelay $0x3  }
0x93: {  	_ =	strace s4  }
0x94: {  	s4 =	sld [smem:$0x3FFC];
	_ =	sdelay $0x3  }
0x95: {  	_ =	strace s4  }
0x96: {  	s4 =	sld [smem:$0x3FFD];
	_ =	sdelay $0x3  }
0x97: {  	_ =	strace s4  }
0x98: {  	_ =	strace $0x8FFFFFFF  }
0x99: {  	s19 =	sld [smem:$0x3FDB];
	_ =	sdelay $0x1  }
0x9a: {  	s5 =	simm.s32 $_scs_section_size  }
0x9b: {  	s6 =	simm.s32 $_size__tile_overlayer_lowered;
	s7 =	simm.s32 $_tile_overlayer_lowered  }
0x9c: {  	s22 =	simm.s32 $0x1BFF;
	s21 =	sshll.u32 s7, $0x1;
	s4 =	sadd.s32 s5, s19  }
0x9d: {  	s8 =	simm.s32 $0x0;
	s20 =	sshll.u32 s6, $0x1;
	s6 =	sadd.s32 s21, s4  }
0x9e: {  	[timem:s8], [sflag:s22] =	dma.local [hbm:s6], s20  }
0x9f: {  	_ =	swait.ge [sflag:s22], s20  }
0xa0: {  	s5 =	ssub.s32 $0x0, s20;
	[sflag:s22] =	ssyncset.done $0x0  }
0xa1: {  	[sflag:s22] =	ssyncadd.s32 s5;
	_ =	sdelay $0x1  }
0xa2: {  	s23 =	simm.s32 $0x1B8B  }
0xa3: {  	_ =	swait.ge [sflag:s23], $0x1  }
0xa4: {  	[sflag:s23] =	ssyncset.done $0x0  }
0xa5: {  	s25 =	simm.s32 $0x1B8E;
	s24 =	sld [smem:$0x3FFE];
	[sflag:s23] =	ssyncadd.s32 $0xFFFFFFFF  }
0xa6: {  	s26 =	simm.s32 $execute0_lowered;
	[smem:$0x3FD2] =	sst s25  }
0xa7: {  	s6 =	sshll.u32 s26, $0x1;
	_ =	strace $0x80000046;
	[dreg:$0x1] =	wrdreg $0xFFFFFFFF  }
0xa8: {  	s28 =	simm.s32 $_size_execute0_lowered;
	s4 =	sadd.s32 s4, s6;
	[dreg:$0x0] =	wrdreg $0x0  }
0xa9: {  	s6 =	sshll.u32 s28, $0x1;
	[dreg:$0x2] =	wrdreg s4  }
0xaa: {  	[dreg:$0x3] =	wrdreg s6  }
0xab: {  	[dreg:$0x4] =	wrdreg $0xC0  }
0xac: {  	_ =	task [dreg:s8], $0x5FFFF  }
0xad: {  	[dreg:$0x1] =	wrdreg $0xFFFFFFFF  }
0xae: {  	[dreg:$0x0] =	wrdreg $0x60  }
0xaf: {  	[dreg:$0x2] =	wrdreg s2  }
0xb0: {  	[dreg:$0x3] =	wrdreg s24  }
0xb1: {  	[dreg:$0x4] =	wrdreg s18  }
0xb2: {  	[dreg:$0x5] =	wrdreg $0x14A000  }
0xb3: {  	[dreg:$0x6] =	wrdreg $0x9  }
0xb4: {  	_ =	task.clear_ibuf [dreg:s8], $0x7FFFF;
	_ =	strace $0x90000046  }
0xb5: {  	s29 =	simm.s32 $0x9;
	_ =	strace $0x80000048  }
0xb6: {  	_ =	swait.ge [sflag:s29], $0x1  }
0xb7: {  	[sflag:s29] =	ssyncadd.s32 $0xFFFFFFFF  }
0xb8: {  	_ =	strace $0x90000048  }
0xb9: {  	_ =	sfence  }
0xba: {  	s30 =	sld [smem:$0x0];
	_ =	sdelay $0x2  }
0xbb: {  	s31 =	sshll.u32 s1, $0xD;
	s1 =	sshrl.u32 s1, $0x2  }
0xbc: {  	s3 =	sand.u32 $0x4000, s31;
	s1 =	sadd.s32 s1, s30  }
0xbd: {  	s0 =	sor.u32 s3, s0;
	s1 =	sshll.u32 s1, $0x11  }
0xbe: {  	s0 =	sor.u32 s1, s0  }
0xbf: {  	s0 =	sadd.s32 $0x8F2B, s0  }
0xc0: {  	[sflag:s0] =	ssyncadd.remote.s32 $0x1  }
0xc1: {  	_ =	sfence.sel $0xFFFF  }
0xc2: {  	[dreg:$0x0] =	wrdreg $0xFFFFFFFF;
	(pc) =	sbr.abs _section_cstart, $3  }
0xc3: {  	[dreg:$0x1] =	wrdreg $0xFFFFFFFF  }
0xc4: {  	_ =	task.clear_ibuf [dreg:s8], $0x2FFFF;
	_ =	strace $0x9FFFFFFF  }
0xc5: {  	(tm) =	ssettm $0x7FFFFFFF  }
tec
execute0_lowered:
.L_overlay_start_1:
0x0: {  	(tag) =	ssettag $0x1  }
0x1: {  	s0 =	rddreg [dreg:$0x0]  }
0x2: {  	s3 =	rddreg [dreg:$0x1];
	v0 =	vimm.s32 $0x36170B4E  }
0x3: {  	s5 =	rddreg [dreg:$0x2];
	v1 =	vimm.s32 $0x170B4E36;
	vm1 =	vcmask $0x1304;
	vm0 =	vcmask $0x2718  }
0x4: {  	s2 =	srdreg.scid;
	s9 =	stileid.u32;
	v2 =	vimm.s32 $0xB4E3617;
	v3 =	vimm.s32 $0x4E361700;
	v4 =	vimm.s32 $0x17004E36  }
0x5: {  	s1 =	rddreg [dreg:$0x3];
	s13 =	simm.s32 $0xA00;
	v5 =	vimm.s32 $0x4E360B;
	v6 =	vimm.s32 $0x4E360B00;
	s22 =	simm.s32 $0x5A00  }
0x6: {  	s12 =	simm.s32 $0x80;
	v7 =	vimm.s32 $0x360B004E;
	s14 =	simm.s32 $0xAA00;
	v8 =	vimm.s32 $0x4E170B00;
	s24 =	simm.s32 $0x780;
	v0 =	vunpack.c.0.s8.s32 v0  }
0x7: {  	vm2 =	vcmask $0x3B2C;
	v9 =	vimm.s32 $0xB003617;
	s25 =	simm.s32 $0xFA00;
	s26 =	simm.s32 $0x800;
	s28 =	simm.s32 $0x10A00;
	v1 =	vunpack.c.0.s8.s32 v1  }
0x8: {  	v10 =	vimm.s32 $0x36170B;
	s29 =	simm.s32 $0x880;
	s30 =	simm.s32 $0x11A00;
	s31 =	simm.s32 $0x900;
	v2 =	vunpack.c.0.s8.s32 v2;
	v0 =	vnsel vm1, $0x0, v0  }
0x9: {  	s15 =	simm.s32 $0x980;
	s16 =	simm.s32 $0x13A00;
	s17 =	simm.s32 $0x1;
	v3 =	vunpack.c.0.s8.s32 v3;
	v0 =	vsel vm0, v1, v0;
	v1 =	vimm.s32 $0x3617004E  }
0xa: {  	s18 =	simm.s32 $0x2;
	s4 =	sand.u32 $0x1, s2;
	s6 =	sshll.u32 s9, $0x1;
	v4 =	vunpack.c.0.s8.s32 v4;
	v6 =	vunpack.c.0.s8.s32 v6;
	v1 =	vunpack.c.0.s8.s32 v1  }
0xb: {  	s19 =	simm.s32 $0x0;
	s2 =	simm.s32 $0x0;
	v9 =	vunpack.c.0.s8.s32 v9;
	v7 =	vunpack.c.0.s8.s32 v7;
	s6 =	sor.u32 s4, s6;
	v3 =	vnsel vm1, $0xB, v3  }
0xc: {  	s3 =	sadd.s32 $0x400, s3;
	p0 =	sne.s32 s9, $0x0;
	s7 =	smul.u32 $0x14000, s6;
	v1 =	vsel vm0, v1, v3;
	v3 =	vunpack.c.0.s8.s32 v5;
	v5 =	vimm.s32 $0xB004E17  }
0xd: {  	[smem:$0x7FF] =	sst s2;
	s4 =	ssub.s32 $0x2, s4;
	s8 =	smul.u32 $0x140, s6;
	v1 =	vsel vm2, v4, v1;
	v4 =	vunpack.c.0.s8.s32 v5;
	v5 =	vimm.s32 $0x170B0036  }
0xe: {  	_ =	strace $0x80000047;
	s10 =	sshrl.u32 s4, $0x1;
	s6 =	smul.u32 $0x2800, s6;
	v0 =	vsel vm2, v2, v0;
	v2 =	vimm.s32 $0x4E170B;
	v5 =	vunpack.c.0.s8.s32 v5  }
0xf: {  	v8 =	vunpack.c.0.s8.s32 v8;
	v10 =	vunpack.c.0.s8.s32 v10;
	s10 =	ssub.s32 s4, s10;
	s7 =	sshrl.u32 s7, $0x3;
	s4 =	sadd.s32 s0, s8;
	v2 =	vunpack.c.0.s8.s32 v2  }
0x10: {  	s9 =	smax.u32 s10, $0x1;
	s10 =	sshrl.u32 @!p0 s1, $0x3;
	s11 =	sadd.s32 s5, s7;
	v3 =	vnsel vm1, $0x17, v3;
	v4 =	vnsel vm1, $0x36, v4;
	v5 =	vnsel vm1, $0x4E, v5  }
0x11: {  	s0 =	simm.s32 $0x12A00;
	s5 =	sadd.s32 s5, s6;
	s6 =	sadd.s32 $0xA00, s11;
	v3 =	vsel vm0, v6, v3;
	v4 =	vsel vm0, v2, v4;
	v5 =	vsel vm0, v9, v5  }
0x12: {  	s7 =	sadd.s32 $0x1400, s11;
	s8 =	sadd.s32 $0x1E00, s11;
	s11 =	simm.s32 $0x3;
	v2 =	vsel vm2, v7, v3;
	v3 =	vsel vm2, v8, v4;
	v4 =	vsel vm2, v10, v5  }
.LBB2_1:
0x13: {  	s20 =	simm.s32 @!p0 $0x1C03  }
0x14: {  	[spmem:s10], [sflag:s20] =	dma.local @!p0 [hbm:s3], $0x150  }
0x15: {  	s20 =	simm.s32 @!p0 $0x3  }
0x16: {  	_ =	swait.ge @!p0 [sflag:s20], $0x150  }
0x17: {  	[sflag:s20] =	ssyncset.done @!p0 $0x0  }
0x18: {  	[sflag:s20] =	ssyncadd.s32 @!p0 $0xFFFFFEB0  }
0x19: {  	[tilespmem:s2], [sflag:$0x3] =	stream.linear.gather [hbm4b:s4+s2], $0xA00, $0x38;
	[tilespmem:$0x14AA8] =	vst v63  }
0x1a: {  	_ =	swait.ge [sflag:s11], $0xA00  }
0x1b: {  	[sflag:s11] =	ssyncset.done $0x0  }
0x1c: {  	s20 =	simm.s32 $0x0;
	[sflag:s11] =	ssyncadd.s32 $0xFFFFF600  }
0x1d: {  	v5 =	vld [tilespmem:s20+$0x0]  }
0x1e: {  	v6 =	vld [tilespmem:s20+$0x10]  }
0x1f: {  	v7 =	vld [tilespmem:s20+$0x20]  }
0x20: {  	v8 =	vld [tilespmem:s20+$0x30]  }
0x21: {  	v9 =	vld [tilespmem:s20+$0x40]  }
0x22: {  	v10 =	vld [tilespmem:s20+$0x50];
	v5 =	vadd.s32 v0, v5  }
0x23: {  	[tilespmem:s20+$0x0] =	vst v5;
	v5 =	vadd.s32 v1, v6;
	v6 =	vld [tilespmem:s20+$0x60]  }
0x24: {  	[tilespmem:s20+$0x10] =	vst v5;
	v5 =	vadd.s32 v2, v7;
	v7 =	vld [tilespmem:s20+$0x70]  }
0x25: {  	[tilespmem:s20+$0x20] =	vst v5;
	v5 =	vadd.s32 v3, v8;
	v8 =	vld [tilespmem:s20+$0x80]  }
0x26: {  	[tilespmem:s20+$0x30] =	vst v5;
	v5 =	vadd.s32 v4, v9;
	v9 =	vld [tilespmem:s20+$0x90]  }
0x27: {  	[tilespmem:s20+$0x40] =	vst v5;
	v5 =	vadd.s32 v0, v10;
	v10 =	vld [tilespmem:s20+$0xA0]  }
0x28: {  	[tilespmem:s20+$0x50] =	vst v5;
	v5 =	vadd.s32 v1, v6;
	v6 =	vld [tilespmem:s20+$0xB0]  }
0x29: {  	[tilespmem:s20+$0x60] =	vst v5;
	v5 =	vadd.s32 v2, v7;
	v7 =	vld [tilespmem:s20+$0xC0]  }
0x2a: {  	[tilespmem:s20+$0x70] =	vst v5;
	v5 =	vadd.s32 v3, v8;
	v8 =	vld [tilespmem:s20+$0xD0]  }
0x2b: {  	[tilespmem:s20+$0x80] =	vst v5;
	v5 =	vadd.s32 v4, v9;
	v9 =	vld [tilespmem:s20+$0xE0]  }
0x2c: {  	[tilespmem:s20+$0x90] =	vst v5;
	v5 =	vadd.s32 v0, v10;
	v10 =	vld [tilespmem:s20+$0xF0]  }
0x2d: {  	[tilespmem:s20+$0xA0] =	vst v5;
	v5 =	vadd.s32 v1, v6;
	v6 =	vld [tilespmem:s20+$0x100]  }
0x2e: {  	[tilespmem:s20+$0xB0] =	vst v5;
	v5 =	vadd.s32 v2, v7;
	v7 =	vld [tilespmem:s20+$0x110]  }
0x2f: {  	[tilespmem:s20+$0xC0] =	vst v5;
	v5 =	vadd.s32 v3, v8;
	v8 =	vld [tilespmem:s20+$0x120]  }
0x30: {  	[tilespmem:s20+$0xD0] =	vst v5;
	v5 =	vadd.s32 v4, v9;
	v9 =	vld [tilespmem:s20+$0x130]  }
0x31: {  	[tilespmem:s20+$0xE0] =	vst v5;
	v5 =	vadd.s32 v0, v10;
	v10 =	vld [tilespmem:s20+$0x140]  }
0x32: {  	[tilespmem:s20+$0xF0] =	vst v5;
	v5 =	vadd.s32 v1, v6;
	v6 =	vld [tilespmem:s20+$0x150]  }
0x33: {  	[tilespmem:s20+$0x100] =	vst v5;
	v5 =	vadd.s32 v2, v7;
	v7 =	vld [tilespmem:s20+$0x160]  }
0x34: {  	[tilespmem:s20+$0x110] =	vst v5;
	v5 =	vadd.s32 v3, v8;
	v8 =	vld [tilespmem:s20+$0x170]  }
0x35: {  	[tilespmem:s20+$0x120] =	vst v5;
	v5 =	vadd.s32 v4, v9;
	v9 =	vld [tilespmem:s20+$0x180]  }
0x36: {  	[tilespmem:s20+$0x130] =	vst v5;
	v5 =	vadd.s32 v0, v10;
	v10 =	vld [tilespmem:s20+$0x190]  }
0x37: {  	[tilespmem:s20+$0x140] =	vst v5;
	v5 =	vadd.s32 v1, v6;
	v6 =	vld [tilespmem:s20+$0x1A0]  }
0x38: {  	[tilespmem:s20+$0x150] =	vst v5;
	v5 =	vadd.s32 v2, v7;
	v7 =	vld [tilespmem:s20+$0x1B0]  }
0x39: {  	[tilespmem:s20+$0x160] =	vst v5;
	v5 =	vadd.s32 v3, v8;
	v8 =	vld [tilespmem:s20+$0x1C0]  }
0x3a: {  	[tilespmem:s20+$0x170] =	vst v5;
	v5 =	vadd.s32 v4, v9;
	v9 =	vld [tilespmem:s20+$0x1D0]  }
0x3b: {  	[tilespmem:s20+$0x180] =	vst v5;
	v5 =	vadd.s32 v0, v10;
	v10 =	vld [tilespmem:s20+$0x1E0]  }
0x3c: {  	v11 =	vld [tilespmem:s20+$0x1F0];
	[tilespmem:s20+$0x190] =	vst v5;
	v5 =	vadd.s32 v1, v6  }
0x3d: {  	v12 =	vld [tilespmem:s20+$0x200];
	[tilespmem:s20+$0x1A0] =	vst v5;
	v5 =	vadd.s32 v2, v7  }
0x3e: {  	v13 =	vld [tilespmem:s20+$0x210];
	[tilespmem:s20+$0x1B0] =	vst v5;
	v5 =	vadd.s32 v3, v8  }
0x3f: {  	v6 =	vld [tilespmem:s20+$0x220];
	[tilespmem:s20+$0x1C0] =	vst v5;
	v5 =	vadd.s32 v4, v9  }
0x40: {  	[tilespmem:s20+$0x1D0] =	vst v5;
	v7 =	vadd.s32 v0, v10;
	v5 =	vld [tilespmem:s20+$0x230]  }
0x41: {  	v8 =	vadd.s32 v1, v11;
	[tilespmem:s20+$0x1E0] =	vst v7;
	v7 =	vld [tilespmem:s20+$0x240]  }
0x42: {  	[tilespmem:s20+$0x1F0] =	vst v8;
	v9 =	vadd.s32 v2, v12;
	v8 =	vld [tilespmem:s20+$0x250]  }
0x43: {  	s21 =	simm.s32 $0xA00;
	[tilespmem:s20+$0x200] =	vst v9;
	v10 =	vadd.s32 v3, v13;
	v9 =	vld [tilespmem:s20+$0x260]  }
.LBB2_2:
0x44: {  	s23 =	sshra.s32 s21, $0x2;
	p1 =	sne.s32 s21, $0x1E00;
	[tilespmem:s20+$0x210] =	vst v10;
	v6 =	vadd.s32 v4, v6;
	v10 =	vld [tilespmem:s20+$0x270]  }
0x45: {  	v11 =	vld [tilespmem:s23+$0x0];
	[tilespmem:s20+$0x220] =	vst v6;
	v5 =	vadd.s32 v0, v5  }
0x46: {  	v6 =	vld [tilespmem:s23+$0x10];
	[tilespmem:s20+$0x230] =	vst v5;
	v5 =	vadd.s32 v1, v7  }
0x47: {  	v7 =	vld [tilespmem:s23+$0x20];
	[tilespmem:s20+$0x240] =	vst v5;
	v5 =	vadd.s32 v2, v8  }
0x48: {  	v8 =	vld [tilespmem:s23+$0x30];
	[tilespmem:s20+$0x250] =	vst v5;
	v5 =	vadd.s32 v3, v9  }
0x49: {  	v9 =	vld [tilespmem:s23+$0x40];
	[tilespmem:s20+$0x260] =	vst v5;
	v5 =	vadd.s32 v4, v10  }
0x4a: {  	v10 =	vadd.s32 v0, v11;
	v11 =	vld [tilespmem:s23+$0x50];
	[tilespmem:s20+$0x270] =	vst v5;
	s20 =	smov.u32 s23  }
0x4b: {  	[tilespmem:s20+$0x0] =	vst v10;
	v5 =	vadd.s32 v1, v6;
	v6 =	vld [tilespmem:s20+$0x60]  }
0x4c: {  	[tilespmem:s20+$0x10] =	vst v5;
	v5 =	vadd.s32 v2, v7;
	v7 =	vld [tilespmem:s20+$0x70]  }
0x4d: {  	[tilespmem:s20+$0x20] =	vst v5;
	v5 =	vadd.s32 v3, v8;
	v8 =	vld [tilespmem:s20+$0x80]  }
0x4e: {  	[tilespmem:s20+$0x30] =	vst v5;
	v5 =	vadd.s32 v4, v9;
	v9 =	vld [tilespmem:s20+$0x90]  }
0x4f: {  	[tilespmem:s20+$0x40] =	vst v5;
	v5 =	vadd.s32 v0, v11;
	v10 =	vld [tilespmem:s20+$0xA0]  }
0x50: {  	[tilespmem:s20+$0x50] =	vst v5;
	v5 =	vadd.s32 v1, v6;
	v6 =	vld [tilespmem:s20+$0xB0]  }
0x51: {  	[tilespmem:s20+$0x60] =	vst v5;
	v5 =	vadd.s32 v2, v7;
	v7 =	vld [tilespmem:s20+$0xC0]  }
0x52: {  	[tilespmem:s20+$0x70] =	vst v5;
	v5 =	vadd.s32 v3, v8;
	v8 =	vld [tilespmem:s20+$0xD0]  }
0x53: {  	[tilespmem:s20+$0x80] =	vst v5;
	v5 =	vadd.s32 v4, v9;
	v9 =	vld [tilespmem:s20+$0xE0]  }
0x54: {  	[tilespmem:s20+$0x90] =	vst v5;
	v5 =	vadd.s32 v0, v10;
	v10 =	vld [tilespmem:s20+$0xF0]  }
0x55: {  	[tilespmem:s20+$0xA0] =	vst v5;
	v5 =	vadd.s32 v1, v6;
	v6 =	vld [tilespmem:s20+$0x100]  }
0x56: {  	[tilespmem:s20+$0xB0] =	vst v5;
	v5 =	vadd.s32 v2, v7;
	v7 =	vld [tilespmem:s20+$0x110]  }
0x57: {  	[tilespmem:s20+$0xC0] =	vst v5;
	v5 =	vadd.s32 v3, v8;
	v8 =	vld [tilespmem:s20+$0x120]  }
0x58: {  	[tilespmem:s20+$0xD0] =	vst v5;
	v5 =	vadd.s32 v4, v9;
	v9 =	vld [tilespmem:s20+$0x130]  }
0x59: {  	[tilespmem:s20+$0xE0] =	vst v5;
	v5 =	vadd.s32 v0, v10;
	v10 =	vld [tilespmem:s20+$0x140]  }
0x5a: {  	[tilespmem:s20+$0xF0] =	vst v5;
	v5 =	vadd.s32 v1, v6;
	v6 =	vld [tilespmem:s20+$0x150]  }
0x5b: {  	[tilespmem:s20+$0x100] =	vst v5;
	v5 =	vadd.s32 v2, v7;
	v7 =	vld [tilespmem:s20+$0x160]  }
0x5c: {  	[tilespmem:s20+$0x110] =	vst v5;
	v5 =	vadd.s32 v3, v8;
	v8 =	vld [tilespmem:s20+$0x170]  }
0x5d: {  	[tilespmem:s20+$0x120] =	vst v5;
	v5 =	vadd.s32 v4, v9;
	v9 =	vld [tilespmem:s20+$0x180]  }
0x5e: {  	[tilespmem:s20+$0x130] =	vst v5;
	v5 =	vadd.s32 v0, v10;
	v10 =	vld [tilespmem:s20+$0x190]  }
0x5f: {  	[tilespmem:s20+$0x140] =	vst v5;
	v5 =	vadd.s32 v1, v6;
	v6 =	vld [tilespmem:s20+$0x1A0]  }
0x60: {  	[tilespmem:s20+$0x150] =	vst v5;
	v5 =	vadd.s32 v2, v7;
	v7 =	vld [tilespmem:s20+$0x1B0]  }
0x61: {  	[tilespmem:s20+$0x160] =	vst v5;
	v5 =	vadd.s32 v3, v8;
	v8 =	vld [tilespmem:s20+$0x1C0]  }
0x62: {  	[tilespmem:s20+$0x170] =	vst v5;
	v5 =	vadd.s32 v4, v9;
	v9 =	vld [tilespmem:s20+$0x1D0]  }
0x63: {  	[tilespmem:s20+$0x180] =	vst v5;
	v5 =	vadd.s32 v0, v10;
	v10 =	vld [tilespmem:s20+$0x1E0]  }
0x64: {  	[tilespmem:s20+$0x190] =	vst v5;
	v5 =	vadd.s32 v1, v6;
	v11 =	vld [tilespmem:s20+$0x1F0]  }
0x65: {  	[tilespmem:s20+$0x1A0] =	vst v5;
	v5 =	vadd.s32 v2, v7;
	v12 =	vld [tilespmem:s20+$0x200]  }
0x66: {  	[tilespmem:s20+$0x1B0] =	vst v5;
	v5 =	vadd.s32 v3, v8;
	v13 =	vld [tilespmem:s20+$0x210]  }
.Ltmp0:
0x67: {  	[tilespmem:s20+$0x1C0] =	vst v5;
	v5 =	vadd.s32 v4, v9;
	v6 =	vld [tilespmem:s20+$0x220];
	(pc) =	sbr.rel @p1 .LBB2_2-.Ltmp0, $4  }
0x68: {  	[tilespmem:s20+$0x1D0] =	vst v5;
	v7 =	vadd.s32 v0, v10;
	v5 =	vld [tilespmem:s20+$0x230]  }
0x69: {  	[tilespmem:s20+$0x1E0] =	vst v7;
	v8 =	vadd.s32 v1, v11;
	v7 =	vld [tilespmem:s20+$0x240]  }
0x6a: {  	[tilespmem:s20+$0x1F0] =	vst v8;
	v9 =	vadd.s32 v2, v12;
	v8 =	vld [tilespmem:s20+$0x250]  }
0x6b: {  	s21 =	sadd.s32 $0xA00, s21;
	[tilespmem:s20+$0x200] =	vst v9;
	v10 =	vadd.s32 v3, v13;
	v9 =	vld [tilespmem:s20+$0x260]  }
0x6c: {  	[tilespmem:s20+$0x210] =	vst v10;
	v6 =	vadd.s32 v4, v6;
	v63 =	vld [tilespmem:s20+$0x270]  }
0x6d: {  	[tilespmem:s20+$0x220] =	vst v6;
	v5 =	vadd.s32 v0, v5  }
0x6e: {  	[tilespmem:s20+$0x230] =	vst v5;
	v5 =	vadd.s32 v1, v7  }
0x6f: {  	[tilespmem:s20+$0x240] =	vst v5;
	v5 =	vadd.s32 v2, v8  }
0x70: {  	[tilespmem:s20+$0x250] =	vst v5;
	v5 =	vadd.s32 v3, v9  }
0x71: {  	[tilespmem:s20+$0x260] =	vst v5;
	v5 =	vadd.s32 v4, v63  }
0x72: {  	[tilespmem:s20+$0x270] =	vst v5  }
0x73: {  	[bflag:$0x0] =	sbarrier.arrive $0xFFFF  }
0x74: {  	[tilespmem:s13], [sflag:$0x1] =	stream.indirect.gather [spmem:s1], $0x20, s2, s12, $0xb8;
	[tilespmem:$0x14AA8] =	vst v63  }
0x75: {  	s21 =	simm.s32 $0x1A00  }
0x76: {  	[tilespmem:s21], [sflag:$0x1] =	stream.indirect.gather [spmem:s1], $0x20, s12, s12, $0xb8;
	[tilespmem:$0x14AA8] =	vst v63  }
0x77: {  	s23 =	simm.s32 $0x100;
	s21 =	simm.s32 $0x2A00  }
0x78: {  	[tilespmem:s21], [sflag:$0x1] =	stream.indirect.gather [spmem:s1], $0x20, s23, s12, $0xb8;
	[tilespmem:$0x14AA8] =	vst v63  }
0x79: {  	s21 =	simm.s32 $0x180;
	s23 =	simm.s32 $0x3A00  }
0x7a: {  	[tilespmem:s23], [sflag:$0x1] =	stream.indirect.gather [spmem:s1], $0x20, s21, s12, $0xb8;
	[tilespmem:$0x14AA8] =	vst v63  }
0x7b: {  	s21 =	simm.s32 $0x200;
	s23 =	simm.s32 $0x4A00  }
0x7c: {  	[tilespmem:s23], [sflag:$0x1] =	stream.indirect.gather [spmem:s1], $0x20, s21, s12, $0xb8;
	[tilespmem:$0x14AA8] =	vst v63  }
0x7d: {  	s23 =	simm.s32 $0x280  }
0x7e: {  	[tilespmem:s22], [sflag:$0x1] =	stream.indirect.gather [spmem:s1], $0x20, s23, s12, $0xb8;
	[tilespmem:$0x14AA8] =	vst v63  }
0x7f: {  	s21 =	simm.s32 $0x300;
	s23 =	simm.s32 $0x6A00  }
0x80: {  	[tilespmem:s23], [sflag:$0x1] =	stream.indirect.gather [spmem:s1], $0x20, s21, s12, $0xb8;
	[tilespmem:$0x14AA8] =	vst v63  }
0x81: {  	s21 =	simm.s32 $0x380;
	s23 =	simm.s32 $0x7A00  }
0x82: {  	[tilespmem:s23], [sflag:$0x1] =	stream.indirect.gather [spmem:s1], $0x20, s21, s12, $0xb8;
	[tilespmem:$0x14AA8] =	vst v63  }
0x83: {  	s21 =	simm.s32 $0x400;
	s23 =	simm.s32 $0x8A00  }
0x84: {  	[tilespmem:s23], [sflag:$0x1] =	stream.indirect.gather [spmem:s1], $0x20, s21, s12, $0xb8;
	[tilespmem:$0x14AA8] =	vst v63  }
0x85: {  	s21 =	simm.s32 $0x480;
	s23 =	simm.s32 $0x9A00  }
0x86: {  	[tilespmem:s23], [sflag:$0x1] =	stream.indirect.gather [spmem:s1], $0x20, s21, s12, $0xb8;
	[tilespmem:$0x14AA8] =	vst v63  }
0x87: {  	s23 =	simm.s32 $0x500  }
0x88: {  	[tilespmem:s14], [sflag:$0x1] =	stream.indirect.gather [spmem:s1], $0x20, s23, s12, $0xb8;
	[tilespmem:$0x14AA8] =	vst v63  }
0x89: {  	s21 =	simm.s32 $0x580;
	s23 =	simm.s32 $0xBA00  }
0x8a: {  	[tilespmem:s23], [sflag:$0x1] =	stream.indirect.gather [spmem:s1], $0x20, s21, s12, $0xb8;
	[tilespmem:$0x14AA8] =	vst v63  }
0x8b: {  	s21 =	simm.s32 $0x600;
	s23 =	simm.s32 $0xCA00  }
0x8c: {  	[tilespmem:s23], [sflag:$0x1] =	stream.indirect.gather [spmem:s1], $0x20, s21, s12, $0xb8;
	[tilespmem:$0x14AA8] =	vst v63  }
0x8d: {  	s21 =	simm.s32 $0x680;
	s23 =	simm.s32 $0xDA00  }
0x8e: {  	[tilespmem:s23], [sflag:$0x1] =	stream.indirect.gather [spmem:s1], $0x20, s21, s12, $0xb8;
	[tilespmem:$0x14AA8] =	vst v63  }
0x8f: {  	s21 =	simm.s32 $0x700;
	s23 =	simm.s32 $0xEA00  }
0x90: {  	[tilespmem:s23], [sflag:$0x1] =	stream.indirect.gather [spmem:s1], $0x20, s21, s12, $0xb8;
	[tilespmem:$0x14AA8] =	vst v63  }
0x91: {  	_ = 	snop  }
0x92: {  	[tilespmem:s25], [sflag:$0x1] =	stream.indirect.gather [spmem:s1], $0x20, s24, s12, $0xb8;
	[tilespmem:$0x14AA8] =	vst v63  }
0x93: {  	_ = 	snop  }
0x94: {  	[tilespmem:s28], [sflag:$0x1] =	stream.indirect.gather [spmem:s1], $0x20, s26, s12, $0xb8;
	[tilespmem:$0x14AA8] =	vst v63  }
0x95: {  	_ = 	snop  }
0x96: {  	[tilespmem:s30], [sflag:$0x1] =	stream.indirect.gather [spmem:s1], $0x20, s29, s12, $0xb8;
	[tilespmem:$0x14AA8] =	vst v63  }
0x97: {  	_ = 	snop  }
0x98: {  	[tilespmem:s0], [sflag:$0x1] =	stream.indirect.gather [spmem:s1], $0x20, s31, s12, $0xb8;
	[tilespmem:$0x14AA8] =	vst v63  }
0x99: {  	_ = 	snop  }
0x9a: {  	[tilespmem:s16], [sflag:$0x1] =	stream.indirect.gather [spmem:s1], $0x20, s15, s12, $0xb8;
	[tilespmem:$0x14AA8] =	vst v63  }
0x9b: {  	_ =	swait.ge [sflag:s17], $0x1000  }
0x9c: {  	[sflag:s17] =	ssyncset.done $0x0  }
0x9d: {  	[sflag:s17] =	ssyncadd.s32 $0xFFFFF000  }
0x9e: {  	_ =	swait.ge [sflag:s17], $0x1000  }
0x9f: {  	[sflag:s17] =	ssyncset.done $0x0  }
0xa0: {  	[sflag:s17] =	ssyncadd.s32 $0xFFFFF000  }
0xa1: {  	_ =	swait.ge [sflag:s17], $0x1000  }
0xa2: {  	[sflag:s17] =	ssyncset.done $0x0  }
0xa3: {  	[sflag:s17] =	ssyncadd.s32 $0xFFFFF000  }
0xa4: {  	_ =	swait.ge [sflag:s17], $0x1000  }
0xa5: {  	[sflag:s17] =	ssyncset.done $0x0  }
0xa6: {  	[sflag:s17] =	ssyncadd.s32 $0xFFFFF000  }
0xa7: {  	_ =	swait.ge [sflag:s17], $0x1000  }
0xa8: {  	[sflag:s17] =	ssyncset.done $0x0  }
0xa9: {  	[sflag:s17] =	ssyncadd.s32 $0xFFFFF000  }
0xaa: {  	[hbm4b:s5+s2] =	stream.linear.scatter [tilespmem:s13], [sflag:$0x2], $0x5000, $0x38;
	[tilespmem:$0x14AA8] =	vst v63  }
0xab: {  	_ =	swait.ge [sflag:s17], $0x1000  }
0xac: {  	[sflag:s17] =	ssyncset.done $0x0  }
0xad: {  	[sflag:s17] =	ssyncadd.s32 $0xFFFFF000  }
0xae: {  	_ =	swait.ge [sflag:s17], $0x1000  }
0xaf: {  	[sflag:s17] =	ssyncset.done $0x0  }
0xb0: {  	[sflag:s17] =	ssyncadd.s32 $0xFFFFF000  }
0xb1: {  	_ =	swait.ge [sflag:s17], $0x1000  }
0xb2: {  	[sflag:s17] =	ssyncset.done $0x0  }
0xb3: {  	[sflag:s17] =	ssyncadd.s32 $0xFFFFF000  }
0xb4: {  	_ =	swait.ge [sflag:s17], $0x1000  }
0xb5: {  	[sflag:s17] =	ssyncset.done $0x0  }
0xb6: {  	[sflag:s17] =	ssyncadd.s32 $0xFFFFF000  }
0xb7: {  	_ =	swait.ge [sflag:s17], $0x1000  }
0xb8: {  	[sflag:s17] =	ssyncset.done $0x0  }
0xb9: {  	[sflag:s17] =	ssyncadd.s32 $0xFFFFF000  }
0xba: {  	[hbm4b:s6+s2] =	stream.linear.scatter [tilespmem:s22], [sflag:$0x2], $0x5000, $0x38;
	[tilespmem:$0x14AA8] =	vst v63  }
0xbb: {  	_ =	swait.ge [sflag:s17], $0x1000  }
0xbc: {  	[sflag:s17] =	ssyncset.done $0x0  }
0xbd: {  	[sflag:s17] =	ssyncadd.s32 $0xFFFFF000  }
0xbe: {  	_ =	swait.ge [sflag:s17], $0x1000  }
0xbf: {  	[sflag:s17] =	ssyncset.done $0x0  }
0xc0: {  	[sflag:s17] =	ssyncadd.s32 $0xFFFFF000  }
0xc1: {  	_ =	swait.ge [sflag:s17], $0x1000  }
0xc2: {  	[sflag:s17] =	ssyncset.done $0x0  }
0xc3: {  	[sflag:s17] =	ssyncadd.s32 $0xFFFFF000  }
0xc4: {  	_ =	swait.ge [sflag:s17], $0x1000  }
0xc5: {  	[sflag:s17] =	ssyncset.done $0x0  }
0xc6: {  	[sflag:s17] =	ssyncadd.s32 $0xFFFFF000  }
0xc7: {  	_ =	swait.ge [sflag:s17], $0x1000  }
0xc8: {  	[sflag:s17] =	ssyncset.done $0x0  }
0xc9: {  	[sflag:s17] =	ssyncadd.s32 $0xFFFFF000  }
0xca: {  	[hbm4b:s7+s2] =	stream.linear.scatter [tilespmem:s14], [sflag:$0x2], $0x5000, $0x38;
	[tilespmem:$0x14AA8] =	vst v63  }
0xcb: {  	_ =	swait.ge [sflag:s17], $0x1000  }
0xcc: {  	[sflag:s17] =	ssyncset.done $0x0  }
0xcd: {  	[sflag:s17] =	ssyncadd.s32 $0xFFFFF000  }
0xce: {  	_ =	swait.ge [sflag:s17], $0x1000  }
0xcf: {  	[sflag:s17] =	ssyncset.done $0x0  }
0xd0: {  	[sflag:s17] =	ssyncadd.s32 $0xFFFFF000  }
0xd1: {  	_ =	swait.ge [sflag:s17], $0x1000  }
0xd2: {  	[sflag:s17] =	ssyncset.done $0x0  }
0xd3: {  	[sflag:s17] =	ssyncadd.s32 $0xFFFFF000  }
0xd4: {  	_ =	swait.ge [sflag:s17], $0x1000  }
0xd5: {  	[sflag:s17] =	ssyncset.done $0x0  }
0xd6: {  	[sflag:s17] =	ssyncadd.s32 $0xFFFFF000  }
0xd7: {  	_ =	swait.ge [sflag:s17], $0x1000  }
0xd8: {  	[sflag:s17] =	ssyncset.done $0x0  }
0xd9: {  	[sflag:s17] =	ssyncadd.s32 $0xFFFFF000  }
0xda: {  	[hbm4b:s8+s2] =	stream.linear.scatter [tilespmem:s25], [sflag:$0x2], $0x5000, $0x38;
	[tilespmem:$0x14AA8] =	vst v63  }
0xdb: {  	_ =	swait.ge [sflag:s18], $0x5000  }
0xdc: {  	[sflag:s18] =	ssyncset.done $0x0  }
0xdd: {  	[sflag:s18] =	ssyncadd.s32 $0xFFFFB000  }
0xde: {  	_ =	swait.ge [sflag:s18], $0x5000  }
0xdf: {  	[sflag:s18] =	ssyncset.done $0x0  }
0xe0: {  	s19 =	sadd.s32 $0x1, s19;
	[sflag:s18] =	ssyncadd.s32 $0xFFFFB000  }
0xe1: {  	p1 =	sne.s32 s19, s9;
	_ =	swait.ge [sflag:s18], $0x5000  }
.Ltmp1:
0xe2: {  	[sflag:s18] =	ssyncset.done $0x0;
	(pc) =	sbr.rel @p1 .LBB2_1-.Ltmp1, $4  }
0xe3: {  	[sflag:s18] =	ssyncadd.s32 $0xFFFFB000  }
0xe4: {  	_ =	swait.ge [sflag:s18], $0x5000  }
0xe5: {  	[sflag:s18] =	ssyncset.done $0x0  }
0xe6: {  	[sflag:s18] =	ssyncadd.s32 $0xFFFFB000  }
0xe7: {  	_ =	sfence.sel $0x180000  }
0xe8: {  	[bflag:$0x0] =	sbarrier.arrive $0xFFFF  }
0xe9: {  	_ =	strace $0x90000047  }
0xea: {  	[bflag:$0x2] =	sbarrier.arrive $0xFFFF  }
0xeb: {  	s0 =	rddreg [dreg:$0x4]  }
0xec: {  	s0 =	sadd.s32 @!p0 $0x100000, s0  }
0xed: {  	[sflag:s0] =	ssyncadd.tile.s32 @!p0 $0x1;
	_ =	shalt  }
.Lfunc_end2:
_tile_overlayer_lowered:
.L_overlay_start_2:
0xee: {  	(tag) =	ssettag $0x2  }
0xef: {  	s0 =	rddreg [dreg:$0x0];
	s2 =	stileid.u32  }
0xf0: {  	s1 =	rddreg [dreg:$0x1];
	p0 =	sne.s32 s2, $0x0  }
0xf1: {  	s3 =	rddreg [dreg:$0x2];
	[bflag:$0x3] =	sbarrier.arrive $0xFFFF;
	s2 =	simm.s32 @!p0 $0x1C03  }
0xf2: {  	[timem:s3], [sflag:s2] =	dma.local @!p0 [hbm:s0], s1  }
0xf3: {  	s0 =	simm.s32 @!p0 $0x3  }
0xf4: {  	_ =	swait.ge @!p0 [sflag:s0], s1  }
0xf5: {  	s1 =	ssub.s32 @!p0 $0x0, s1;
	[sflag:s0] =	ssyncset.done @!p0 $0x0  }
0xf6: {  	[sflag:s0] =	ssyncadd.s32 @!p0 s1  }
0xf7: {  	[bflag:$0x3] =	sbarrier.arrive $0xFFFF  }
0xf8: {  	_ =	shalt  }

</sc_bundles>
